<compile_context>
chip_gen: v7x
topology: tpu7x:2x2x1
jax: 0.10.2.dev20260603
libtpu: 0.0.44.dev20260713+nightly
codegen_flags: <defaults>
</compile_context>

<pallas_src>
import functools

import jax
import jax.numpy as jnp
from jax import lax
from jax.experimental import pallas as pl
from jax.experimental.pallas import tpu as pltpu
from jax.experimental.pallas import tpu_sc as plsc

_NC = 2
_NS = 16
_NW = _NC * _NS
_L = 16
_LN2 = 0.6931471805599453
_SQRT2 = 1.4142135623730951


def _log_f32(p):
    bits = plsc.bitcast(p, jnp.int32)
    e = (bits >> 23) - 127
    m = plsc.bitcast((bits & 0x7FFFFF) | 0x3F800000, jnp.float32)
    big = m > _SQRT2
    m = jnp.where(big, m * 0.5, m)
    e = jnp.where(big, e + 1, e)
    s = (m - 1.0) / (m + 1.0)
    s2 = s * s
    ln_m = 2.0 * s * (1.0 + s2 * (1.0 / 3.0 + s2 * (1.0 / 5.0 + s2 * (1.0 / 7.0 + s2 * (1.0 / 9.0)))))
    ln_p = ln_m + e.astype(jnp.float32) * _LN2
    return jnp.where(p == 0.0, -jnp.inf, ln_p)


def _sc_loss_partials(in_t, tgt1d):
    C, N = in_t.shape
    CW = N // _NW
    W = 128
    NQ = CW // W
    mesh = plsc.VectorSubcoreMesh(
        core_axis_name="c", subcore_axis_name="s",
        num_cores=_NC, num_subcores=_NS,
    )

    @functools.partial(
        pl.kernel,
        out_type=jax.ShapeDtypeStruct((_NW * _L,), jnp.float32),
        mesh=mesh,
        scratch_types=[
            pltpu.VMEM((CW,), jnp.int32),
            pltpu.VMEM((_L,), jnp.float32),
            pltpu.VMEM((NQ, W, W), jnp.float32),
            pltpu.SemaphoreType.DMA,
        ],
        compiler_params=pltpu.CompilerParams(
            use_tc_tiling_on_sc=True, needs_layout_passes=False,
        ),
    )
    def loss_kernel(in_hbm, tgt_hbm, out_hbm, tgt_v, acc_v, win_v, sem):
        wid = lax.axis_index("s") * _NC + lax.axis_index("c")
        col0 = wid * CW
        pltpu.sync_copy(tgt_hbm.at[pl.ds(col0, CW)], tgt_v)
        lane = lax.iota(jnp.int32, _L)

        def window_src(q):
            rows = tgt_v.at[pl.ds(q * W, W)]
            return in_hbm.at[rows, pl.ds(col0 + q * W, W)]

        def fire(q, carry):
            pltpu.async_copy(window_src(q), win_v.at[q], sem)
            return carry

        lax.fori_loop(0, NQ, fire, 0)

        def body(i, acc):
            q = i >> 3
            d = (i & 7) * _L + lane
            p = plsc.load_gather(win_v, [jnp.full((_L,), 0, jnp.int32) + q, d, d])
            r = 1.0 - p
            return acc + (_log_f32(p) - r * r)

        def consume(q, acc):
            pltpu.make_async_copy(window_src(q), win_v.at[q], sem).wait()
            return lax.fori_loop(q * (W // _L), (q + 1) * (W // _L), body, acc)

        acc = lax.fori_loop(0, NQ, consume, jnp.zeros((_L,), jnp.float32))
        acc_v[...] = acc
        pltpu.sync_copy(acc_v, out_hbm.at[pl.ds(wid * _L, _L)])

    return loss_kernel(in_t, tgt1d)


def _tc_mean(partials2d, n):

    def body(p_ref, o_ref):
        o_ref[0, 0] = jnp.sum(p_ref[...]) * (1.0 / n)

    return pl.pallas_call(
        body,
        out_shape=jax.ShapeDtypeStruct((1, 1), jnp.float32),
        out_specs=pl.BlockSpec(memory_space=pltpu.SMEM),
    )(partials2d)


def kernel(inputs, targets):
    N, C = inputs.shape
    tgt1d = targets.astype(jnp.int32).reshape(N)
    part = _sc_loss_partials(inputs.T, tgt1d)
    return _tc_mean(part.reshape(4, 128), N)[0, 0]

# --- scband reference (transcript-rebuilt; emitter-appended) ---
"""Pipeline reference for scband-focal-loss-21380347200083 (READ-ONLY COPY).

The authoritative reference and input builder live on the scoring server;
editing this copy changes nothing except your own understanding.
"""

import jax, jax.numpy as jnp
import numpy as np

GAMMA = 2
SIZE_AVERAGE = True


def setup_inputs(seed: int = 0) -> dict:
    key = jax.random.key(seed)
    k1, k2 = jax.random.split(key)
    # inputs are treated as probabilities by the module (log is taken directly)
    inputs = jax.random.uniform(k1, (16384, 1000), dtype=jnp.float32)
    targets = jax.random.randint(k2, (16384, 1), 0, 1000, dtype=jnp.int32)
    return {"inputs": inputs, "targets": targets}


def reference(inputs, targets):
    N, C = inputs.shape
    ids = targets.reshape(-1).astype(jnp.int32)
    # class_mask.scatter_(1, ids, 1.0) -> one-hot overwrite
    class_mask = jnp.zeros((N, C), dtype=inputs.dtype).at[jnp.arange(N), ids].set(1.0)
    # alpha defaults to ones(C, 1); gathered per-row by target id
    alpha_tab = jnp.ones((C, 1), dtype=jnp.float32)
    alpha = alpha_tab[ids]  # [N, 1]
    probs = (inputs * class_mask).sum(axis=1).reshape(-1, 1)
    log_p = jnp.log(probs)
    # NOTE: faithful to original module: '+ log_p' (not '* log_p')
    batch_loss = -alpha * jnp.power(1.0 - probs, GAMMA) + log_p
    if SIZE_AVERAGE:
        loss = batch_loss.mean()
    else:
        loss = batch_loss.sum()
    return loss

if __name__ == "__main__":
    import jax
    _d = setup_inputs()
    print(jax.jit(kernel)(*tuple(_d.values())))

</pallas_src>

<mosaic_0001>
#map = affine_map<(d0, d1) -> (0, 0)>
#map1 = affine_map<(d0, d1) -> (0)>
module attributes {stable_mosaic.version = 14 : i64} {
  func.func @loss_kernel(%arg0: i32, %arg1: i32, %arg2: memref<1000x16384xf32, #tpu.memory_space<hbm>>, %arg3: memref<16384xi32, #tpu.memory_space<hbm>>, %arg4: memref<512xf32, #tpu.memory_space<hbm>>, %arg5: memref<512xi32, #tpu.memory_space<vmem>>, %arg6: memref<16xf32, #tpu.memory_space<vmem>>, %arg7: memref<4x128x128xf32, #tpu.memory_space<vmem>>, %arg8: memref<!tpu.dma_semaphore, #tpu.memory_space<semaphore_mem>>) attributes {dimension_semantics = [#tpu.dimension_semantics<core_parallel>, #tpu.dimension_semantics<subcore_parallel>], iteration_bounds = array<i64: 2, 16>, scalar_prefetch = 0 : i64, scratch_operands = 4 : i64, tpu.core_type = #tpu.core_type<sc_vector_subcore>, window_params = [{transform_indices = #map}, {transform_indices = #map1}, {transform_indices = #map1}]} {
    %mul3A = arith.constant 2 : i32
    %mul3A_0 = arith.muli %arg1, %mul3A : i32
    %add3A = arith.addi %mul3A_0, %arg0 : i32
    %mul3A_1 = arith.constant 512 : i32
    %mul3A_2 = arith.muli %add3A, %mul3A_1 : i32
    "tpu.region"() ({
      %run_scoped3A = tpu.sem_alloc : memref<!tpu.dma_semaphore, #tpu.memory_space<semaphore_mem>>
      %dma_start3A = tpu.memref_slice %arg3[%mul3A_2] : memref<16384xi32, #tpu.memory_space<hbm>> -> memref<512xi32, #tpu.memory_space<hbm>>
      %dma_start3A_18 = tpu.memref_slice %arg3[%mul3A_2] : memref<16384xi32, #tpu.memory_space<hbm>> -> memref<512xi32, #tpu.memory_space<hbm>>
      tpu.enqueue_dma source(%dma_start3A_18 : memref<512xi32, #tpu.memory_space<hbm>>) target(%arg5 : memref<512xi32, #tpu.memory_space<vmem>>) target_semaphore(%run_scoped3A : memref<!tpu.dma_semaphore, #tpu.memory_space<semaphore_mem>>)
      %dma_wait3A = tpu.memref_slice %arg3[%mul3A_2] : memref<16384xi32, #tpu.memory_space<hbm>> -> memref<512xi32, #tpu.memory_space<hbm>>
      %dma_wait3A_19 = tpu.memref_slice %arg3[%mul3A_2] : memref<16384xi32, #tpu.memory_space<hbm>> -> memref<512xi32, #tpu.memory_space<hbm>>
      tpu.wait_dma2 semaphore(%run_scoped3A : memref<!tpu.dma_semaphore, #tpu.memory_space<semaphore_mem>>) src(%dma_wait3A_19 : memref<512xi32, #tpu.memory_space<hbm>>) dst(%arg5 : memref<512xi32, #tpu.memory_space<vmem>>)
      tpu.yield
    }) : () -> ()
    %iota3A = tpu.iota {dimensions = array<i32: 0>} : vector<16xi32>
    %scan3A = arith.constant 0 : i32
    %scan3A_3 = arith.constant 0 : i32
    %scan3A_4 = arith.constant 4 : i32
    %scan3A_5 = arith.addi %scan3A_3, %scan3A_4 : i32
    %scan3A_6 = arith.constant 1 : i32
    scf.for %scan3A_18 = %scan3A_3 to %scan3A_5 step %scan3A_6  : i32 {
      %mul3A_19 = arith.constant 128 : i32
      %mul3A_20 = arith.muli %scan3A_18, %mul3A_19 : i32
      %mul3A_21 = arith.constant 128 : i32
      %mul3A_22 = arith.muli %scan3A_18, %mul3A_21 : i32
      %add3A_23 = arith.addi %mul3A_2, %mul3A_22 : i32
      %dma_start3A = arith.constant 0 : i32
      %dma_start3A_24 = arith.constant 0 : i32
      %dma_start3A_25 = tpu.memref_slice %arg7[%scan3A_18, %dma_start3A, %dma_start3A_24] : memref<4x128x128xf32, #tpu.memory_space<vmem>> -> memref<1x128x128xf32, #tpu.memory_space<vmem>>
      %dma_start3A_26 = tpu.memref_squeeze %dma_start3A_25 : memref<1x128x128xf32, #tpu.memory_space<vmem>> -> memref<128x128xf32, #tpu.memory_space<vmem>>
      %dma_start3A_27 = tpu.memref_slice %arg5[%mul3A_20] : memref<512xi32, #tpu.memory_space<vmem>> -> memref<128xi32, #tpu.memory_space<vmem>>
      %dma_start3A_28 = arith.constant 0 : i32
      %dma_start3A_29 = tpu.memref_slice %arg2[%dma_start3A_28, %add3A_23] : memref<1000x16384xf32, #tpu.memory_space<hbm>> -> memref<1000x128xf32, #tpu.memory_space<hbm>>
      tpu.enqueue_indirect_dma source(%dma_start3A_29 : memref<1000x128xf32, #tpu.memory_space<hbm>>) target(%dma_start3A_26 : memref<128x128xf32, #tpu.memory_space<vmem>>) offsets(%dma_start3A_27 : memref<128xi32, #tpu.memory_space<vmem>>) semaphore(%arg8 : memref<!tpu.dma_semaphore, #tpu.memory_space<semaphore_mem>>)
    }
    %scan3A_7 = arith.constant 4 : i32
    %broadcast_in_dim3A = arith.constant 0.000000e+00 : f32
    %broadcast_in_dim3A_8 = vector.broadcast %broadcast_in_dim3A : f32 to vector<16xf32>
    %scan3A_9 = arith.constant 0 : i32
    %scan3A_10 = arith.constant 4 : i32
    %scan3A_11 = arith.addi %scan3A_9, %scan3A_10 : i32
    %scan3A_12 = arith.constant 1 : i32
    %scan3A_13 = scf.for %scan3A_18 = %scan3A_9 to %scan3A_11 step %scan3A_12 iter_args(%scan3A_19 = %broadcast_in_dim3A_8) -> (vector<16xf32>)  : i32 {
      %mul3A_20 = arith.constant 128 : i32
      %mul3A_21 = arith.muli %scan3A_18, %mul3A_20 : i32
      %mul3A_22 = arith.constant 128 : i32
      %mul3A_23 = arith.muli %scan3A_18, %mul3A_22 : i32
      %add3A_24 = arith.addi %mul3A_2, %mul3A_23 : i32
      %dma_wait3A = arith.constant 0 : i32
      %dma_wait3A_25 = arith.constant 0 : i32
      %dma_wait3A_26 = tpu.memref_slice %arg7[%scan3A_18, %dma_wait3A, %dma_wait3A_25] : memref<4x128x128xf32, #tpu.memory_space<vmem>> -> memref<1x128x128xf32, #tpu.memory_space<vmem>>
      %dma_wait3A_27 = tpu.memref_squeeze %dma_wait3A_26 : memref<1x128x128xf32, #tpu.memory_space<vmem>> -> memref<128x128xf32, #tpu.memory_space<vmem>>
      %dma_wait3A_28 = tpu.memref_slice %arg5[%mul3A_21] : memref<512xi32, #tpu.memory_space<vmem>> -> memref<128xi32, #tpu.memory_space<vmem>>
      %dma_wait3A_29 = arith.constant 0 : i32
      %dma_wait3A_30 = tpu.memref_slice %arg2[%dma_wait3A_29, %add3A_24] : memref<1000x16384xf32, #tpu.memory_space<hbm>> -> memref<1000x128xf32, #tpu.memory_space<hbm>>
      tpu.wait_indirect_dma semaphore(%arg8 : memref<!tpu.dma_semaphore, #tpu.memory_space<semaphore_mem>>) src(%dma_wait3A_30 : memref<1000x128xf32, #tpu.memory_space<hbm>>) dst(%dma_wait3A_27 : memref<128x128xf32, #tpu.memory_space<vmem>>)
      %mul3A_31 = arith.constant 8 : i32
      %mul3A_32 = arith.muli %scan3A_18, %mul3A_31 : i32
      %add3A_33 = arith.constant 1 : i32
      %add3A_34 = arith.addi %scan3A_18, %add3A_33 : i32
      %mul3A_35 = arith.constant 8 : i32
      %mul3A_36 = arith.muli %add3A_34, %mul3A_35 : i32
      %while3A = arith.subi %mul3A_36, %mul3A_32 : i32
      %while3A_37 = arith.addi %mul3A_32, %while3A : i32
      %while3A_38 = arith.constant 1 : i32
      %while3A_39 = arith.divsi %while3A, %while3A_38 : i32
      %while3A_40 = arith.muli %while3A_39, %while3A_38 : i32
      %while3A_41 = arith.addi %mul3A_32, %while3A_40 : i32
      %while3A_42 = arith.constant 1 : i32
      %while3A_43 = scf.for %while3A_46 = %mul3A_32 to %while3A_41 step %while3A_42 iter_args(%while3A_47 = %scan3A_19) -> (vector<16xf32>)  : i32 {
        %shift_right_arithmetic3A = arith.constant 3 : i32
        %shift_right_arithmetic3A_48 = arith.shrsi %while3A_46, %shift_right_arithmetic3A : i32
        %and3A = arith.constant 7 : i32
        %and3A_49 = arith.andi %while3A_46, %and3A : i32
        %mul3A_50 = arith.constant 16 : i32
        %mul3A_51 = arith.muli %and3A_49, %mul3A_50 : i32
        %add3A_52 = vector.broadcast %mul3A_51 : i32 to vector<16xi32>
        %add3A_53 = arith.addi %add3A_52, %iota3A : vector<16xi32>
        %broadcast_in_dim3A_54 = arith.constant 0 : i32
        %broadcast_in_dim3A_55 = vector.broadcast %broadcast_in_dim3A_54 : i32 to vector<16xi32>
        %add3A_56 = vector.broadcast %shift_right_arithmetic3A_48 : i32 to vector<16xi32>
        %add3A_57 = arith.addi %broadcast_in_dim3A_55, %add3A_56 : vector<16xi32>
        %gather3A = tpu.vector_load_idx %arg7[%add3A_57, %add3A_53, %add3A_53] : memref<4x128x128xf32, #tpu.memory_space<vmem>>[vector<16xi32>, vector<16xi32>, vector<16xi32>], vector<16xf32>,
        %sub3A = arith.constant 1.000000e+00 : f32
        %sub3A_58 = vector.broadcast %sub3A : f32 to vector<16xf32>
        %sub3A_59 = arith.subf %sub3A_58, %gather3A : vector<16xf32>
        %bitcast3A = vector.bitcast %gather3A : vector<16xf32> to vector<16xi32>
        %shift_right_arithmetic3A_60 = arith.constant 23 : i32
        %shift_right_arithmetic3A_61 = vector.broadcast %shift_right_arithmetic3A_60 : i32 to vector<16xi32>
        %shift_right_arithmetic3A_62 = arith.shrsi %bitcast3A, %shift_right_arithmetic3A_61 : vector<16xi32>
        %sub3A_63 = arith.constant 127 : i32
        %sub3A_64 = vector.broadcast %sub3A_63 : i32 to vector<16xi32>
        %sub3A_65 = arith.subi %shift_right_arithmetic3A_62, %sub3A_64 : vector<16xi32>
        %and3A_66 = arith.constant 8388607 : i32
        %and3A_67 = vector.broadcast %and3A_66 : i32 to vector<16xi32>
        %and3A_68 = arith.andi %bitcast3A, %and3A_67 : vector<16xi32>
        %or3A = arith.constant 1065353216 : i32
        %or3A_69 = vector.broadcast %or3A : i32 to vector<16xi32>
        %or3A_70 = arith.ori %and3A_68, %or3A_69 : vector<16xi32>
        %bitcast3A_71 = vector.bitcast %or3A_70 : vector<16xi32> to vector<16xf32>
        %gt3A = arith.constant 1.41421354 : f32
        %gt3A_72 = vector.broadcast %gt3A : f32 to vector<16xf32>
        %gt3A_73 = arith.cmpf ogt, %bitcast3A_71, %gt3A_72 : vector<16xf32>
        %mul3A_74 = arith.constant 5.000000e-01 : f32
        %mul3A_75 = vector.broadcast %mul3A_74 : f32 to vector<16xf32>
        %mul3A_76 = arith.mulf %bitcast3A_71, %mul3A_75 : vector<16xf32>
        %select_n3A = arith.select %gt3A_73, %mul3A_76, %bitcast3A_71 : vector<16xi1>, vector<16xf32>
        %add3A_77 = arith.constant 1 : i32
        %add3A_78 = vector.broadcast %add3A_77 : i32 to vector<16xi32>
        %add3A_79 = arith.addi %sub3A_65, %add3A_78 : vector<16xi32>
        %select_n3A_80 = arith.select %gt3A_73, %add3A_79, %sub3A_65 : vector<16xi1>, vector<16xi32>
        %sub3A_81 = arith.constant 1.000000e+00 : f32
        %sub3A_82 = vector.broadcast %sub3A_81 : f32 to vector<16xf32>
        %sub3A_83 = arith.subf %select_n3A, %sub3A_82 : vector<16xf32>
        %add3A_84 = arith.constant 1.000000e+00 : f32
        %add3A_85 = vector.broadcast %add3A_84 : f32 to vector<16xf32>
        %add3A_86 = arith.addf %select_n3A, %add3A_85 : vector<16xf32>
        %div3A = arith.divf %sub3A_83, %add3A_86 : vector<16xf32>
        %mul3A_87 = arith.mulf %div3A, %div3A : vector<16xf32>
        %mul3A_88 = arith.constant 2.000000e+00 : f32
        %mul3A_89 = vector.broadcast %mul3A_88 : f32 to vector<16xf32>
        %mul3A_90 = arith.mulf %mul3A_89, %div3A : vector<16xf32>
        %mul3A_91 = arith.constant 0.111111112 : f32
        %mul3A_92 = vector.broadcast %mul3A_91 : f32 to vector<16xf32>
        %mul3A_93 = arith.mulf %mul3A_87, %mul3A_92 : vector<16xf32>
        %add3A_94 = arith.constant 0.142857149 : f32
        %add3A_95 = vector.broadcast %add3A_94 : f32 to vector<16xf32>
        %add3A_96 = arith.addf %add3A_95, %mul3A_93 : vector<16xf32>
        %mul3A_97 = arith.mulf %mul3A_87, %add3A_96 : vector<16xf32>
        %add3A_98 = arith.constant 2.000000e-01 : f32
        %add3A_99 = vector.broadcast %add3A_98 : f32 to vector<16xf32>
        %add3A_100 = arith.addf %add3A_99, %mul3A_97 : vector<16xf32>
        %mul3A_101 = arith.mulf %mul3A_87, %add3A_100 : vector<16xf32>
        %add3A_102 = arith.constant 0.333333343 : f32
        %add3A_103 = vector.broadcast %add3A_102 : f32 to vector<16xf32>
        %add3A_104 = arith.addf %add3A_103, %mul3A_101 : vector<16xf32>
        %mul3A_105 = arith.mulf %mul3A_87, %add3A_104 : vector<16xf32>
        %add3A_106 = arith.constant 1.000000e+00 : f32
        %add3A_107 = vector.broadcast %add3A_106 : f32 to vector<16xf32>
        %add3A_108 = arith.addf %add3A_107, %mul3A_105 : vector<16xf32>
        %mul3A_109 = arith.mulf %mul3A_90, %add3A_108 : vector<16xf32>
        %convert_element_type3A = arith.sitofp %select_n3A_80 : vector<16xi32> to vector<16xf32>
        %mul3A_110 = arith.constant 0.693147182 : f32
        %mul3A_111 = vector.broadcast %mul3A_110 : f32 to vector<16xf32>
        %mul3A_112 = arith.mulf %convert_element_type3A, %mul3A_111 : vector<16xf32>
        %add3A_113 = arith.addf %mul3A_109, %mul3A_112 : vector<16xf32>
        %eq3A = arith.constant 0.000000e+00 : f32
        %eq3A_114 = vector.broadcast %eq3A : f32 to vector<16xf32>
        %eq3A_115 = arith.cmpf oeq, %gather3A, %eq3A_114 : vector<16xf32>
        %jit3A = arith.constant 0xFF800000 : f32
        %broadcast_in_dim3A_116 = vector.broadcast %jit3A : f32 to vector<16xf32>
        %select_n3A_117 = arith.select %eq3A_115, %broadcast_in_dim3A_116, %add3A_113 : vector<16xi1>, vector<16xf32>
        %mul3A_118 = arith.mulf %sub3A_59, %sub3A_59 : vector<16xf32>
        %sub3A_119 = arith.subf %select_n3A_117, %mul3A_118 : vector<16xf32>
        %add3A_120 = arith.addf %while3A_47, %sub3A_119 : vector<16xf32>
        scf.yield %add3A_120 : vector<16xf32>
      }
      %while3A_44 = arith.constant 1 : i32
      %while3A_45 = scf.for %while3A_46 = %while3A_41 to %while3A_37 step %while3A_44 iter_args(%while3A_47 = %while3A_43) -> (vector<16xf32>)  : i32 {
        %shift_right_arithmetic3A = arith.constant 3 : i32
        %shift_right_arithmetic3A_48 = arith.shrsi %while3A_46, %shift_right_arithmetic3A : i32
        %and3A = arith.constant 7 : i32
        %and3A_49 = arith.andi %while3A_46, %and3A : i32
        %mul3A_50 = arith.constant 16 : i32
        %mul3A_51 = arith.muli %and3A_49, %mul3A_50 : i32
        %add3A_52 = vector.broadcast %mul3A_51 : i32 to vector<16xi32>
        %add3A_53 = arith.addi %add3A_52, %iota3A : vector<16xi32>
        %broadcast_in_dim3A_54 = arith.constant 0 : i32
        %broadcast_in_dim3A_55 = vector.broadcast %broadcast_in_dim3A_54 : i32 to vector<16xi32>
        %add3A_56 = vector.broadcast %shift_right_arithmetic3A_48 : i32 to vector<16xi32>
        %add3A_57 = arith.addi %broadcast_in_dim3A_55, %add3A_56 : vector<16xi32>
        %gather3A = tpu.vector_load_idx %arg7[%add3A_57, %add3A_53, %add3A_53] : memref<4x128x128xf32, #tpu.memory_space<vmem>>[vector<16xi32>, vector<16xi32>, vector<16xi32>], vector<16xf32>,
        %sub3A = arith.constant 1.000000e+00 : f32
        %sub3A_58 = vector.broadcast %sub3A : f32 to vector<16xf32>
        %sub3A_59 = arith.subf %sub3A_58, %gather3A : vector<16xf32>
        %bitcast3A = vector.bitcast %gather3A : vector<16xf32> to vector<16xi32>
        %shift_right_arithmetic3A_60 = arith.constant 23 : i32
        %shift_right_arithmetic3A_61 = vector.broadcast %shift_right_arithmetic3A_60 : i32 to vector<16xi32>
        %shift_right_arithmetic3A_62 = arith.shrsi %bitcast3A, %shift_right_arithmetic3A_61 : vector<16xi32>
        %sub3A_63 = arith.constant 127 : i32
        %sub3A_64 = vector.broadcast %sub3A_63 : i32 to vector<16xi32>
        %sub3A_65 = arith.subi %shift_right_arithmetic3A_62, %sub3A_64 : vector<16xi32>
        %and3A_66 = arith.constant 8388607 : i32
        %and3A_67 = vector.broadcast %and3A_66 : i32 to vector<16xi32>
        %and3A_68 = arith.andi %bitcast3A, %and3A_67 : vector<16xi32>
        %or3A = arith.constant 1065353216 : i32
        %or3A_69 = vector.broadcast %or3A : i32 to vector<16xi32>
        %or3A_70 = arith.ori %and3A_68, %or3A_69 : vector<16xi32>
        %bitcast3A_71 = vector.bitcast %or3A_70 : vector<16xi32> to vector<16xf32>
        %gt3A = arith.constant 1.41421354 : f32
        %gt3A_72 = vector.broadcast %gt3A : f32 to vector<16xf32>
        %gt3A_73 = arith.cmpf ogt, %bitcast3A_71, %gt3A_72 : vector<16xf32>
        %mul3A_74 = arith.constant 5.000000e-01 : f32
        %mul3A_75 = vector.broadcast %mul3A_74 : f32 to vector<16xf32>
        %mul3A_76 = arith.mulf %bitcast3A_71, %mul3A_75 : vector<16xf32>
        %select_n3A = arith.select %gt3A_73, %mul3A_76, %bitcast3A_71 : vector<16xi1>, vector<16xf32>
        %add3A_77 = arith.constant 1 : i32
        %add3A_78 = vector.broadcast %add3A_77 : i32 to vector<16xi32>
        %add3A_79 = arith.addi %sub3A_65, %add3A_78 : vector<16xi32>
        %select_n3A_80 = arith.select %gt3A_73, %add3A_79, %sub3A_65 : vector<16xi1>, vector<16xi32>
        %sub3A_81 = arith.constant 1.000000e+00 : f32
        %sub3A_82 = vector.broadcast %sub3A_81 : f32 to vector<16xf32>
        %sub3A_83 = arith.subf %select_n3A, %sub3A_82 : vector<16xf32>
        %add3A_84 = arith.constant 1.000000e+00 : f32
        %add3A_85 = vector.broadcast %add3A_84 : f32 to vector<16xf32>
        %add3A_86 = arith.addf %select_n3A, %add3A_85 : vector<16xf32>
        %div3A = arith.divf %sub3A_83, %add3A_86 : vector<16xf32>
        %mul3A_87 = arith.mulf %div3A, %div3A : vector<16xf32>
        %mul3A_88 = arith.constant 2.000000e+00 : f32
        %mul3A_89 = vector.broadcast %mul3A_88 : f32 to vector<16xf32>
        %mul3A_90 = arith.mulf %mul3A_89, %div3A : vector<16xf32>
        %mul3A_91 = arith.constant 0.111111112 : f32
        %mul3A_92 = vector.broadcast %mul3A_91 : f32 to vector<16xf32>
        %mul3A_93 = arith.mulf %mul3A_87, %mul3A_92 : vector<16xf32>
        %add3A_94 = arith.constant 0.142857149 : f32
        %add3A_95 = vector.broadcast %add3A_94 : f32 to vector<16xf32>
        %add3A_96 = arith.addf %add3A_95, %mul3A_93 : vector<16xf32>
        %mul3A_97 = arith.mulf %mul3A_87, %add3A_96 : vector<16xf32>
        %add3A_98 = arith.constant 2.000000e-01 : f32
        %add3A_99 = vector.broadcast %add3A_98 : f32 to vector<16xf32>
        %add3A_100 = arith.addf %add3A_99, %mul3A_97 : vector<16xf32>
        %mul3A_101 = arith.mulf %mul3A_87, %add3A_100 : vector<16xf32>
        %add3A_102 = arith.constant 0.333333343 : f32
        %add3A_103 = vector.broadcast %add3A_102 : f32 to vector<16xf32>
        %add3A_104 = arith.addf %add3A_103, %mul3A_101 : vector<16xf32>
        %mul3A_105 = arith.mulf %mul3A_87, %add3A_104 : vector<16xf32>
        %add3A_106 = arith.constant 1.000000e+00 : f32
        %add3A_107 = vector.broadcast %add3A_106 : f32 to vector<16xf32>
        %add3A_108 = arith.addf %add3A_107, %mul3A_105 : vector<16xf32>
        %mul3A_109 = arith.mulf %mul3A_90, %add3A_108 : vector<16xf32>
        %convert_element_type3A = arith.sitofp %select_n3A_80 : vector<16xi32> to vector<16xf32>
        %mul3A_110 = arith.constant 0.693147182 : f32
        %mul3A_111 = vector.broadcast %mul3A_110 : f32 to vector<16xf32>
        %mul3A_112 = arith.mulf %convert_element_type3A, %mul3A_111 : vector<16xf32>
        %add3A_113 = arith.addf %mul3A_109, %mul3A_112 : vector<16xf32>
        %eq3A = arith.constant 0.000000e+00 : f32
        %eq3A_114 = vector.broadcast %eq3A : f32 to vector<16xf32>
        %eq3A_115 = arith.cmpf oeq, %gather3A, %eq3A_114 : vector<16xf32>
        %jit3A = arith.constant 0xFF800000 : f32
        %broadcast_in_dim3A_116 = vector.broadcast %jit3A : f32 to vector<16xf32>
        %select_n3A_117 = arith.select %eq3A_115, %broadcast_in_dim3A_116, %add3A_113 : vector<16xi1>, vector<16xf32>
        %mul3A_118 = arith.mulf %sub3A_59, %sub3A_59 : vector<16xf32>
        %sub3A_119 = arith.subf %select_n3A_117, %mul3A_118 : vector<16xf32>
        %add3A_120 = arith.addf %while3A_47, %sub3A_119 : vector<16xf32>
        scf.yield %add3A_120 : vector<16xf32>
      }
      scf.yield %while3A_45 : vector<16xf32>
    }
    %scan3A_14 = arith.constant 4 : i32
    %swap3A = arith.constant 0 : index
    %swap3A_15 = tpu.vector_load %arg6[%swap3A] {strides = array<i32>} : memref<16xf32, #tpu.memory_space<vmem>>, vector<16xf32>,
    tpu.vector_store %arg6[%swap3A], %scan3A_13 {strides = array<i32>} : memref<16xf32, #tpu.memory_space<vmem>>, vector<16xf32>,
    %mul3A_16 = arith.constant 16 : i32
    %mul3A_17 = arith.muli %add3A, %mul3A_16 : i32
    "tpu.region"() ({
      %run_scoped3A = tpu.sem_alloc : memref<!tpu.dma_semaphore, #tpu.memory_space<semaphore_mem>>
      %dma_start3A = tpu.memref_slice %arg4[%mul3A_17] : memref<512xf32, #tpu.memory_space<hbm>> -> memref<16xf32, #tpu.memory_space<hbm>>
      %dma_start3A_18 = tpu.memref_slice %arg4[%mul3A_17] : memref<512xf32, #tpu.memory_space<hbm>> -> memref<16xf32, #tpu.memory_space<hbm>>
      tpu.enqueue_dma source(%arg6 : memref<16xf32, #tpu.memory_space<vmem>>) target(%dma_start3A_18 : memref<16xf32, #tpu.memory_space<hbm>>) target_semaphore(%run_scoped3A : memref<!tpu.dma_semaphore, #tpu.memory_space<semaphore_mem>>)
      %dma_wait3A = tpu.memref_slice %arg4[%mul3A_17] : memref<512xf32, #tpu.memory_space<hbm>> -> memref<16xf32, #tpu.memory_space<hbm>>
      %dma_wait3A_19 = tpu.memref_slice %arg4[%mul3A_17] : memref<512xf32, #tpu.memory_space<hbm>> -> memref<16xf32, #tpu.memory_space<hbm>>
      tpu.wait_dma2 semaphore(%run_scoped3A : memref<!tpu.dma_semaphore, #tpu.memory_space<semaphore_mem>>) src(%arg6 : memref<16xf32, #tpu.memory_space<vmem>>) dst(%dma_wait3A_19 : memref<16xf32, #tpu.memory_space<hbm>>)
      tpu.yield
    }) : () -> ()
    return
  }
}

module attributes {stable_mosaic.version = 14 : i64} {
  func.func @body(%arg0: memref<4x128xf32, #tpu.memory_space<vmem>>, %arg1: memref<1x1xf32, #tpu.memory_space<smem>>) attributes {dimension_semantics = [], scalar_prefetch = 0 : i64, scratch_operands = 0 : i64, tpu.core_type = #tpu.core_type<tc>} {
    %get3A = arith.constant 0 : index
    %get3A_0 = arith.constant 0 : index
    %get3A_1 = vector.load %arg0[%get3A, %get3A_0] : memref<4x128xf32, #tpu.memory_space<vmem>>, vector<4x128xf32>
    %reduce_sum3A = vector.shape_cast %get3A_1 : vector<4x128xf32> to vector<1x4x128xf32>
    %reduce_sum3A_2 = arith.constant dense<0.000000e+00> : vector<1xf32>
    %reduce_sum3A_3 = vector.multi_reduction <add>, %reduce_sum3A, %reduce_sum3A_2 [1, 2] : vector<1x4x128xf32> to vector<1xf32>
    %reduce_sum3A_4 = vector.shape_cast %reduce_sum3A_3 : vector<1xf32> to vector<1x1x1xf32>
    %reduce_sum3A_5 = vector.extract %reduce_sum3A_4[0, 0, 0] : f32 from vector<1x1x1xf32>
    %mul3A = arith.constant 6.10351563E-5 : f32
    %mul3A_6 = arith.mulf %reduce_sum3A_5, %mul3A : f32
    %swap3A = arith.constant 0 : index
    %swap3A_7 = arith.constant 0 : index
    %swap3A_8 = memref.load %arg1[%swap3A, %swap3A_7] : memref<1x1xf32, #tpu.memory_space<smem>>
    memref.store %mul3A_6, %arg1[%swap3A, %swap3A_7] : memref<1x1xf32, #tpu.memory_space<smem>>
    return
  }
}

</mosaic_0001>

<sc_bundles>
// kernel: kernel.4.cloned.1.call-start
scs
__scs_entry_jumppad:
0x0: {  	(pc) =	sbr.rel $0x88, $3  }
0x1: {  	(tag) =	ssettag $0x0;
	lr =	simm.s32 $0x1  }
0x2: {  	[smem:$0x3F9F] =	sst lr;
	_ =	strace $0xD0000000  }
0x3: {  	_ = 	snop  }
0x4: {  	_ = 	snop  }
0x5: {  	_ = 	snop  }
0x6: {  	_ = 	snop  }
0x7: {  	_ = 	snop  }
__scs_overlays_trampoline_lowered:
0x8: {  	[smem:$0x3FAE] =	sst s0  }
0x9: {  	[smem:$0x3FAF] =	sst s1  }
0xa: {  	[smem:$0x3FB0] =	sst s2  }
0xb: {  	[smem:$0x3FB1] =	sst s3  }
0xc: {  	[smem:$0x3FB2] =	sst s4  }
0xd: {  	[smem:$0x3FB3] =	sst s5  }
0xe: {  	[smem:$0x3FB4] =	sst s6  }
0xf: {  	[smem:$0x3FB5] =	sst s7  }
0x10: {  	[smem:$0x3FB6] =	sst s8  }
0x11: {  	[smem:$0x3FB7] =	sst s9;
	s0 =	simm.s32 @!p0 $0x0  }
0x12: {  	s1 =	sld [smem:$0x3F9D];
	s0 =	simm.s32 @p0 $0x1  }
0x13: {  	[smem:$0x3FB8] =	sst s0;
	s0 =	simm.s32 @!p1 $0x0  }
0x14: {  	s2 =	sld [smem:$0x3F9C];
	s0 =	simm.s32 @p1 $0x1  }
0x15: {  	[smem:$0x3FB9] =	sst s0;
	s0 =	simm.s32 @!p2 $0x0  }
0x16: {  	s3 =	sld [smem:$0x3FDB];
	s0 =	simm.s32 @p2 $0x1  }
0x17: {  	s4 =	simm.s32 $0x1BF5;
	[smem:$0x3FBB] =	sst s0  }
0x18: {  	s0 =	sld [smem:$0x3F9E];
	_ =	swait.ge [sflag:s4], $0x0  }
0x19: {  	s7 =	sld [smem:$0x3F9F]  }
0x1a: {  	s8 =	sadd.s32 $0xFFFFE003, lr  }
0x1b: {  	s9 =	sadd.s32 $0xFFFFFEF7, lr;
	s5 =	simm.s32 $0xFFFFFFFF;
	p2 =	slt.u32 s8, $0xFFFFF086  }
0x1c: {  	p1 =	slt.u32 s9, $0xF7A;
	s5 =	simm.s32 @!p2 $0x0  }
0x1d: {  	s5 =	simm.s32 @p1 $0x1;
	p0 =	seq.s32 s7, s2  }
0x1e: {  	s7 =	smul.u32 @!p0 $0xF7A, s2;
	p2 =	seq.s32 @!p0 s5, $0x0  }
0x1f: {  	s9 =	smul.u32 $0xF7A, s1;
	s8 =	simm.s32 @!p0 $0x1BF5;
	p2 =	por !p2, p0  }
0x20: {  	[sflag:s8] =	ssyncset.s32 @!p0 $0xFFFFF086;
	s6 =	sadd.s32 @!p0 s3, s7;
	s7 =	simm.s32 @!p0 $0x108  }
0x21: {  	s3 =	sadd.s32 s3, s9;
	s6 =	sadd.s32 @!p0 $0x88, s6;
	s7 =	simm.s32 @p2 $0x1082  }
0x22: {  	[simem:s7], [sflag:s8] =	dma.local @!p0 [hbm:s6], $0xF7A  }
0x23: {  	s9 =	sor.u32 $0xD0000000, s2;
	s6 =	simm.s32 $0x108;
	_ =	swait.ge @!p0 [sflag:s8], $0x0  }
0x24: {  	s3 =	sadd.s32 $0x88, s3;
	s6 =	simm.s32 @!p1 $0x1082;
	[sflag:s4] =	ssyncset.s32 $0xFFFFF086  }
0x25: {  	[simem:s6], [sflag:s4] =	dma.local [hbm:s3], $0xF7A  }
0x26: {  	[smem:$0x3F9F] =	sst s1;
	(tag) =	ssettag s2;
	_ =	strace s9  }
0x27: {  	s1 =	sld [smem:$0x3FAF]  }
0x28: {  	s2 =	sld [smem:$0x3FB0]  }
0x29: {  	s4 =	sld [smem:$0x3FB2]  }
0x2a: {  	p0 =	seq.s32 s5, $0x0;
	s5 =	sld [smem:$0x3FB3]  }
0x2b: {  	s6 =	sld [smem:$0x3FB4]  }
0x2c: {  	s7 =	sld [smem:$0x3FB5]  }
0x2d: {  	s3 =	simm.s32 $0x108;
	s8 =	sld [smem:$0x3FB6]  }
0x2e: {  	s3 =	simm.s32 @!p0 $0x1082;
	s9 =	sld [smem:$0x3FB7]  }
0x2f: {  	lr =	sadd.s32 s0, s3;
	s0 =	sld [smem:$0x3FAE]  }
0x30: {  	s3 =	sld [smem:$0x3FB1]  }
0x31: {  	[smem:$0x3FBA] =	sst s10  }
0x32: {  	s10 =	sld [smem:$0x3FB8];
	_ =	sdelay $0x3  }
0x33: {  	p0 =	seq.s32 s10, $0x1;
	s10 =	sld [smem:$0x3FBA];
	_ =	sdelay $0x3  }
0x34: {  	[smem:$0x3FBA] =	sst s10  }
0x35: {  	s10 =	sld [smem:$0x3FB9];
	_ =	sdelay $0x3  }
0x36: {  	p1 =	seq.s32 s10, $0x1;
	s10 =	sld [smem:$0x3FBA];
	_ =	sdelay $0x3  }
0x37: {  	[smem:$0x3FBA] =	sst s10  }
0x38: {  	s10 =	sld [smem:$0x3FBB]  }
0x39: {  	_ = 	snop;
	(pc) =	sbr.ind lr, $3  }
0x3a: {  	_ = 	snop  }
0x3b: {  	_ = 	snop  }
0x3c: {  	p2 =	seq.s32 s10, $0x1;
	s10 =	sld [smem:$0x3FBA]  }
0x3d: {  	_ =	shalt  }
0x3e: {  	_ =	shalt  }
0x3f: {  	_ =	shalt  }
0x40: {  	_ =	shalt  }
0x41: {  	_ =	shalt  }
0x42: {  	_ =	shalt  }
0x43: {  	_ =	shalt  }
0x44: {  	_ =	shalt  }
0x45: {  	_ =	shalt  }
0x46: {  	_ =	shalt  }
0x47: {  	_ =	shalt  }
0x48: {  	_ =	shalt  }
0x49: {  	_ =	shalt  }
0x4a: {  	_ =	shalt  }
0x4b: {  	_ =	shalt  }
0x4c: {  	_ =	shalt  }
0x4d: {  	_ =	shalt  }
0x4e: {  	_ =	shalt  }
0x4f: {  	_ =	shalt  }
0x50: {  	_ =	shalt  }
0x51: {  	_ =	shalt  }
0x52: {  	_ =	shalt  }
0x53: {  	_ =	shalt  }
0x54: {  	_ =	shalt  }
0x55: {  	_ =	shalt  }
0x56: {  	_ =	shalt  }
0x57: {  	_ =	shalt  }
0x58: {  	_ =	shalt  }
0x59: {  	_ =	shalt  }
0x5a: {  	_ =	shalt  }
0x5b: {  	_ =	shalt  }
0x5c: {  	_ =	shalt  }
0x5d: {  	_ =	shalt  }
0x5e: {  	_ =	shalt  }
0x5f: {  	_ =	shalt  }
0x60: {  	_ =	shalt  }
0x61: {  	_ =	shalt  }
0x62: {  	_ =	shalt  }
0x63: {  	_ =	shalt  }
0x64: {  	_ =	shalt  }
0x65: {  	_ =	shalt  }
0x66: {  	_ =	shalt  }
0x67: {  	_ =	shalt  }
0x68: {  	_ =	shalt  }
0x69: {  	_ =	shalt  }
0x6a: {  	_ =	shalt  }
0x6b: {  	_ =	shalt  }
0x6c: {  	_ =	shalt  }
0x6d: {  	_ =	shalt  }
0x6e: {  	_ =	shalt  }
0x6f: {  	_ =	shalt  }
0x70: {  	_ =	shalt  }
0x71: {  	_ =	shalt  }
0x72: {  	_ =	shalt  }
0x73: {  	_ =	shalt  }
0x74: {  	_ =	shalt  }
0x75: {  	_ =	shalt  }
0x76: {  	_ =	shalt  }
0x77: {  	_ =	shalt  }
0x78: {  	_ =	shalt  }
0x79: {  	_ =	shalt  }
0x7a: {  	_ =	shalt  }
0x7b: {  	_ =	shalt  }
0x7c: {  	_ =	shalt  }
0x7d: {  	_ =	shalt  }
0x7e: {  	_ =	shalt  }
0x7f: {  	_ =	shalt  }
0x80: {  	_ =	shalt  }
0x81: {  	_ =	shalt  }
0x82: {  	_ =	shalt  }
0x83: {  	_ =	shalt  }
0x84: {  	_ =	shalt  }
0x85: {  	_ =	shalt  }
0x86: {  	_ =	shalt  }
0x87: {  	_ =	shalt  }
.Lfunc_end0:
.L_simem_size_0:
called_computation_lowered:
.L_overlay_start_0:
0x88: {  	s2 =	sld [smem:$0x3FD9]  }
0x89: {  	s3 =	sld [smem:$0x3FFE];
	_ =	sdelay $0x1  }
0x8a: {  	s1 =	srdreg.scid  }
0x8b: {  	s0 =	sand.u32 $0x1, s1  }
0x8c: {  	s17 =	sshll.u32 s0, $0xA;
	s2 =	sadd.s32 s3, s2  }
0x8d: {  	s2 =	sadd.s32 s2, s17  }
0x8e: {  	[smem:$0x3FC6] =	sst s2  }
0x8f: {  	_ = 	snop  }
0x90: {  	s2 =	sld [smem:$0x3FC9]  }
0x91: {  	s18 =	sld [smem:$0x3FC8];
	(tm) =	ssettm $0x1  }
0x92: {  	s4 =	sld [smem:$0x3FFB];
	_ =	sdelay $0x3  }
0x93: {  	_ =	strace s4  }
0x94: {  	s4 =	sld [smem:$0x3FFC];
	_ =	sdelay $0x3  }
0x95: {  	_ =	strace s4  }
0x96: {  	s4 =	sld [smem:$0x3FFD];
	_ =	sdelay $0x3  }
0x97: {  	_ =	strace s4  }
0x98: {  	_ =	strace $0x8FFFFFFF  }
0x99: {  	s19 =	sld [smem:$0x3FDB];
	_ =	sdelay $0x1  }
0x9a: {  	s5 =	simm.s32 $_scs_section_size  }
0x9b: {  	s6 =	simm.s32 $_size__tile_overlayer_lowered;
	s7 =	simm.s32 $_tile_overlayer_lowered  }
0x9c: {  	s22 =	simm.s32 $0x1BFF;
	s21 =	sshll.u32 s7, $0x1;
	s4 =	sadd.s32 s5, s19  }
0x9d: {  	s8 =	simm.s32 $0x0;
	s20 =	sshll.u32 s6, $0x1;
	s6 =	sadd.s32 s21, s4  }
0x9e: {  	[timem:s8], [sflag:s22] =	dma.local [hbm:s6], s20  }
0x9f: {  	_ =	swait.ge [sflag:s22], s20  }
0xa0: {  	s5 =	ssub.s32 $0x0, s20;
	[sflag:s22] =	ssyncset.done $0x0  }
0xa1: {  	[sflag:s22] =	ssyncadd.s32 s5;
	_ =	sdelay $0x1  }
0xa2: {  	s23 =	simm.s32 $0x1B8B  }
0xa3: {  	_ =	swait.ge [sflag:s23], $0x1  }
0xa4: {  	[sflag:s23] =	ssyncset.done $0x0  }
0xa5: {  	s25 =	simm.s32 $0x1B8E;
	s24 =	sld [smem:$0x3FFE];
	[sflag:s23] =	ssyncadd.s32 $0xFFFFFFFF  }
0xa6: {  	s26 =	simm.s32 $execute0_lowered;
	[smem:$0x3FD2] =	sst s25  }
0xa7: {  	s6 =	sshll.u32 s26, $0x1;
	_ =	strace $0x80000046;
	[dreg:$0x1] =	wrdreg $0xFFFFFFFF  }
0xa8: {  	s28 =	simm.s32 $_size_execute0_lowered;
	s4 =	sadd.s32 s4, s6;
	[dreg:$0x0] =	wrdreg $0x0  }
0xa9: {  	s6 =	sshll.u32 s28, $0x1;
	[dreg:$0x2] =	wrdreg s4  }
0xaa: {  	[dreg:$0x3] =	wrdreg s6  }
0xab: {  	[dreg:$0x4] =	wrdreg $0xC0  }
0xac: {  	_ =	task [dreg:s8], $0x5FFFF  }
0xad: {  	[dreg:$0x1] =	wrdreg $0xFFFFFFFF  }
0xae: {  	[dreg:$0x0] =	wrdreg $0x60  }
0xaf: {  	[dreg:$0x2] =	wrdreg s2  }
0xb0: {  	[dreg:$0x3] =	wrdreg s18  }
0xb1: {  	[dreg:$0x4] =	wrdreg s24  }
0xb2: {  	[dreg:$0x5] =	wrdreg $0x9  }
0xb3: {  	_ =	task.clear_ibuf [dreg:s8], $0x6FFFF;
	_ =	strace $0x90000046  }
0xb4: {  	s29 =	simm.s32 $0x9;
	_ =	strace $0x80000048  }
0xb5: {  	_ =	swait.ge [sflag:s29], $0x1  }
0xb6: {  	[sflag:s29] =	ssyncadd.s32 $0xFFFFFFFF  }
0xb7: {  	_ =	strace $0x90000048  }
0xb8: {  	_ =	sfence  }
0xb9: {  	s30 =	sld [smem:$0x0];
	_ =	sdelay $0x2  }
0xba: {  	s31 =	sshll.u32 s1, $0xD;
	s1 =	sshrl.u32 s1, $0x2  }
0xbb: {  	s3 =	sand.u32 $0x4000, s31;
	s1 =	sadd.s32 s1, s30  }
0xbc: {  	s0 =	sor.u32 s3, s0;
	s1 =	sshll.u32 s1, $0x11  }
0xbd: {  	s0 =	sor.u32 s1, s0  }
0xbe: {  	s0 =	sadd.s32 $0x8F2B, s0  }
0xbf: {  	[sflag:s0] =	ssyncadd.remote.s32 $0x1  }
0xc0: {  	_ =	sfence.sel $0xFFFF  }
0xc1: {  	[dreg:$0x0] =	wrdreg $0xFFFFFFFF;
	(pc) =	sbr.abs _section_cstart, $3  }
0xc2: {  	[dreg:$0x1] =	wrdreg $0xFFFFFFFF  }
0xc3: {  	_ =	task.clear_ibuf [dreg:s8], $0x2FFFF;
	_ =	strace $0x9FFFFFFF  }
0xc4: {  	(tm) =	ssettm $0x7FFFFFFF  }
0xc5: {  	_ =	shalt  }
tec
execute0_lowered:
.L_overlay_start_1:
0x0: {  	(tag) =	ssettag $0x1  }
0x1: {  	s6 =	rddreg [dreg:$0x0]  }
0x2: {  	s3 =	rddreg [dreg:$0x1]  }
0x3: {  	s4 =	rddreg [dreg:$0x2]  }
0x4: {  	s0 =	rddreg [dreg:$0x3]  }
0x5: {  	s5 =	srdreg.scid;
	s1 =	stileid.u32;
	s2 =	simm.s32 $0x0  }
0x6: {  	s11 =	simm.s32 $0x0;
	s12 =	simm.s32 $0x0;
	s7 =	sand.u32 $0x1, s5  }
0x7: {  	v0 =	vimm.s32 $0x7;
	v1 =	vlaneseq.u32;
	s30 =	sshll.u32 s1, $0x1;
	[smem:$0x7FF] =	sst s2;
	s31 =	sshll.u32 s1, $0xA  }
0x8: {  	v2 =	vimm.s32 $0x0;
	vm0 =	vmmov $0x1;
	v4 =	vimm.s32 $0x1;
	s5 =	sor.u32 s7, s30;
	s8 =	ssub.s32 $0x2, s7;
	_ =	strace $0x80000047  }
0x9: {  	v5 =	vimm.s32 $0x2;
	v6 =	vimm.s32 $0x3;
	v7 =	vimm.s32 $0x4;
	s6 =	sadd.s32 s31, s6;
	s7 =	sshll.u32 s7, $0x9;
	s9 =	sshll.u32 s5, $0x1  }
0xa: {  	v8 =	vimm.s32 $0x5;
	v9 =	vimm.s32 $0x6;
	v10 =	vimm.s32 $0x8;
	s10 =	sshrl.u32 s8, $0x1;
	s5 =	sshll.u32 s5, $0x6;
	s6 =	sadd.s32 s7, s6  }
0xb: {  	v11 =	vimm.s32 $0x9;
	v12 =	vimm.s32 $0xA;
	v13 =	vimm.s32 $0xB;
	s7 =	simm.s32 $0x2;
	s4 =	sadd.s32 s9, s4;
	s8 =	ssub.s32 s8, s10  }
0xc: {  	v14 =	vimm.s32 $0xC;
	v15 =	vimm.s32 $0xD;
	v16 =	vimm.s32 $0xE;
	s3 =	sadd.s32 s3, s5;
	s9 =	simm.s32 $0x280;
	s10 =	simm.s32 $0x200  }
0xd: {  	v17 =	vimm.s32 $0xF;
	v18 =	vimm.s32 $0xFFFFFF81;
	v3 =	vmul.u32 $0x8, v1;
	s4 =	sadd.s32 $0x600, s4;
	s5 =	smax.u32 s8, $0x1;
	s8 =	simm.s32 $0x1  }
.LBB2_1:
0xe: {  	[tilespmem:s2], [sflag:$0x2] =	stream.linear.gather [hbm4b:s3+s2], $0x200, $0x38;
	[tilespmem:$0x10280] =	vst v63  }
0xf: {  	_ =	swait.ge [sflag:s7], $0x200  }
0x10: {  	s13 =	simm.s32 $0x40;
	[sflag:s7] =	ssyncset.done $0x0  }
0x11: {  	s14 =	smov.u32 s6;
	s15 =	simm.s32 $0x0;
	[sflag:s7] =	ssyncadd.s32 $0xFFFFFE00  }
.LBB2_2:
0x12: {  	v19 =	vld [tilespmem:s13+$0xFFFFFFC0];
	_ =	sdelay $0x4  }
0x13: {  	v20 =	vshll.u32 v19, $0x7  }
0x14: {  	v19 =	vand.u32 $0x7, v19;
	v20 =	vand.u32 $0xFFFFFC00, v20  }
0x15: {  	v19 =	vor.u32 v19, v20  }
0x16: {  	v20 =	vperm.xlane v19, v2;
	_ =	sdelay $0x1  }
0x17: {  	v21 =	vperm.xlane v19, v4;
	v20 =	vadd.s32 v3, v20;
	_ =	sdelay $0x1  }
0x18: {  	v22 =	vperm.xlane v19, v5;
	v21 =	vadd.s32 v3, v21  }
0x19: {  	s16 =	sshra.s32 s15, $0x2  }
0x1a: {  	s17 =	sadd.s32 $0x280, s16;
	v23 =	vperm.xlane v19, v6;
	v22 =	vadd.s32 v3, v22  }
0x1b: {  	[tilespmem:s17], [sflag:$0x1] =	stream.indirect_vreg.gather [hbm4b:s14+s12], $0x80, v20, vm0, $0xb8;
	[tilespmem:$0x10280] =	vst v63  }
0x1c: {  	s22 =	sadd.s32 $0x300, s16;
	v51 =	vperm.xlane v19, v7;
	v20 =	vadd.s32 v3, v23  }
0x1d: {  	[tilespmem:s22], [sflag:$0x1] =	stream.indirect_vreg.gather [hbm4b:s14+s12], $0x80, v21, vm0, $0xb8;
	[tilespmem:$0x10280] =	vst v63  }
0x1e: {  	s23 =	sadd.s32 $0x380, s16;
	v53 =	vperm.xlane v19, v8;
	v52 =	vadd.s32 v3, v51  }
0x1f: {  	[tilespmem:s23], [sflag:$0x1] =	stream.indirect_vreg.gather [hbm4b:s14+s12], $0x80, v22, vm0, $0xb8;
	[tilespmem:$0x10280] =	vst v63  }
0x20: {  	s24 =	sadd.s32 $0x400, s16;
	v55 =	vperm.xlane v19, v9;
	v54 =	vadd.s32 v3, v53  }
0x21: {  	[tilespmem:s24], [sflag:$0x1] =	stream.indirect_vreg.gather [hbm4b:s14+s12], $0x80, v20, vm0, $0xb8;
	[tilespmem:$0x10280] =	vst v63  }
0x22: {  	s25 =	sadd.s32 $0x480, s16;
	v56 =	vperm.xlane v19, v0;
	v20 =	vadd.s32 v3, v55  }
0x23: {  	[tilespmem:s25], [sflag:$0x1] =	stream.indirect_vreg.gather [hbm4b:s14+s12], $0x80, v52, vm0, $0xb8;
	[tilespmem:$0x10280] =	vst v63  }
0x24: {  	s26 =	sadd.s32 $0x500, s16;
	v58 =	vperm.xlane v19, v10;
	v57 =	vadd.s32 v3, v56  }
0x25: {  	[tilespmem:s26], [sflag:$0x1] =	stream.indirect_vreg.gather [hbm4b:s14+s12], $0x80, v54, vm0, $0xb8;
	[tilespmem:$0x10280] =	vst v63  }
0x26: {  	s28 =	sadd.s32 $0x580, s16;
	v60 =	vperm.xlane v19, v11;
	v59 =	vadd.s32 v3, v58  }
0x27: {  	[tilespmem:s28], [sflag:$0x1] =	stream.indirect_vreg.gather [hbm4b:s14+s12], $0x80, v20, vm0, $0xb8;
	[tilespmem:$0x10280] =	vst v63  }
0x28: {  	s29 =	sadd.s32 $0x600, s16;
	v61 =	vperm.xlane v19, v12;
	v20 =	vadd.s32 v3, v60  }
0x29: {  	[tilespmem:s29], [sflag:$0x1] =	stream.indirect_vreg.gather [hbm4b:s14+s12], $0x80, v57, vm0, $0xb8;
	[tilespmem:$0x10280] =	vst v63  }
0x2a: {  	s30 =	sadd.s32 $0x680, s16;
	v63 =	vperm.xlane v19, v13;
	v62 =	vadd.s32 v3, v61  }
0x2b: {  	[tilespmem:s30], [sflag:$0x1] =	stream.indirect_vreg.gather [hbm4b:s14+s12], $0x80, v59, vm0, $0xb8;
	[tilespmem:$0x10280] =	vst v63  }
0x2c: {  	s31 =	sadd.s32 $0x700, s16;
	v25 =	vperm.xlane v19, v14;
	v24 =	vadd.s32 v3, v63  }
0x2d: {  	[tilespmem:s31], [sflag:$0x1] =	stream.indirect_vreg.gather [hbm4b:s14+s12], $0x80, v20, vm0, $0xb8;
	[tilespmem:$0x10280] =	vst v63  }
0x2e: {  	s18 =	sadd.s32 $0x780, s16;
	v26 =	vperm.xlane v19, v15;
	v20 =	vadd.s32 v3, v25  }
0x2f: {  	[tilespmem:s18], [sflag:$0x1] =	stream.indirect_vreg.gather [hbm4b:s14+s12], $0x80, v62, vm0, $0xb8;
	[tilespmem:$0x10280] =	vst v63  }
0x30: {  	s19 =	sadd.s32 $0x800, s16;
	v28 =	vperm.xlane v19, v16;
	v27 =	vadd.s32 v3, v26  }
0x31: {  	[tilespmem:s19], [sflag:$0x1] =	stream.indirect_vreg.gather [hbm4b:s14+s12], $0x80, v24, vm0, $0xb8;
	[tilespmem:$0x10280] =	vst v63  }
0x32: {  	s20 =	sadd.s32 $0x880, s16;
	v19 =	vperm.xlane v19, v17;
	v29 =	vadd.s32 v3, v28  }
0x33: {  	[tilespmem:s20], [sflag:$0x1] =	stream.indirect_vreg.gather [hbm4b:s14+s12], $0x80, v20, vm0, $0xb8;
	[tilespmem:$0x10280] =	vst v63  }
0x34: {  	s21 =	sadd.s32 $0x900, s16;
	v19 =	vadd.s32 v3, v19  }
0x35: {  	[tilespmem:s21], [sflag:$0x1] =	stream.indirect_vreg.gather [hbm4b:s14+s12], $0x80, v27, vm0, $0xb8;
	[tilespmem:$0x10280] =	vst v63  }
0x36: {  	s22 =	sadd.s32 $0x980, s16  }
0x37: {  	[tilespmem:s22], [sflag:$0x1] =	stream.indirect_vreg.gather [hbm4b:s14+s12], $0x80, v29, vm0, $0xb8;
	[tilespmem:$0x10280] =	vst v63  }
0x38: {  	s23 =	sadd.s32 $0xA00, s16  }
0x39: {  	[tilespmem:s23], [sflag:$0x1] =	stream.indirect_vreg.gather [hbm4b:s14+s12], $0x80, v19, vm0, $0xb8;
	[tilespmem:$0x10280] =	vst v63  }
0x3a: {  	v19 =	vld [tilespmem:s13+$0xFFFFFFD0];
	_ =	sdelay $0x4  }
0x3b: {  	v20 =	vshll.u32 v19, $0x7  }
0x3c: {  	v19 =	vand.u32 $0x7, v19;
	v20 =	vand.u32 $0xFFFFFC00, v20  }
0x3d: {  	v19 =	vor.u32 v19, v20  }
0x3e: {  	v20 =	vperm.xlane v19, v2;
	_ =	sdelay $0x1  }
0x3f: {  	v30 =	vperm.xlane v19, v4;
	v20 =	vadd.s32 v3, v20;
	_ =	sdelay $0x1  }
0x40: {  	v31 =	vperm.xlane v19, v5;
	v21 =	vadd.s32 v3, v30;
	_ =	sdelay $0x1  }
0x41: {  	s24 =	sadd.s32 $0xA80, s16;
	v32 =	vperm.xlane v19, v6;
	v22 =	vadd.s32 v3, v31  }
0x42: {  	[tilespmem:s24], [sflag:$0x1] =	stream.indirect_vreg.gather [hbm4b:s14+s12], $0x80, v20, vm0, $0xb8;
	[tilespmem:$0x10280] =	vst v63  }
0x43: {  	s25 =	sadd.s32 $0xB00, s16;
	v33 =	vperm.xlane v19, v7;
	v20 =	vadd.s32 v3, v32  }
0x44: {  	[tilespmem:s25], [sflag:$0x1] =	stream.indirect_vreg.gather [hbm4b:s14+s12], $0x80, v21, vm0, $0xb8;
	[tilespmem:$0x10280] =	vst v63  }
0x45: {  	s26 =	sadd.s32 $0xB80, s16;
	v35 =	vperm.xlane v19, v8;
	v34 =	vadd.s32 v3, v33  }
0x46: {  	[tilespmem:s26], [sflag:$0x1] =	stream.indirect_vreg.gather [hbm4b:s14+s12], $0x80, v22, vm0, $0xb8;
	[tilespmem:$0x10280] =	vst v63  }
0x47: {  	s28 =	sadd.s32 $0xC00, s16;
	v37 =	vperm.xlane v19, v9;
	v36 =	vadd.s32 v3, v35  }
0x48: {  	[tilespmem:s28], [sflag:$0x1] =	stream.indirect_vreg.gather [hbm4b:s14+s12], $0x80, v20, vm0, $0xb8;
	[tilespmem:$0x10280] =	vst v63  }
0x49: {  	s29 =	sadd.s32 $0xC80, s16;
	v38 =	vperm.xlane v19, v0;
	v20 =	vadd.s32 v3, v37  }
0x4a: {  	[tilespmem:s29], [sflag:$0x1] =	stream.indirect_vreg.gather [hbm4b:s14+s12], $0x80, v34, vm0, $0xb8;
	[tilespmem:$0x10280] =	vst v63  }
0x4b: {  	s30 =	sadd.s32 $0xD00, s16;
	v40 =	vperm.xlane v19, v10;
	v39 =	vadd.s32 v3, v38  }
0x4c: {  	[tilespmem:s30], [sflag:$0x1] =	stream.indirect_vreg.gather [hbm4b:s14+s12], $0x80, v36, vm0, $0xb8;
	[tilespmem:$0x10280] =	vst v63  }
0x4d: {  	s31 =	sadd.s32 $0xD80, s16;
	v42 =	vperm.xlane v19, v11;
	v41 =	vadd.s32 v3, v40  }
0x4e: {  	[tilespmem:s31], [sflag:$0x1] =	stream.indirect_vreg.gather [hbm4b:s14+s12], $0x80, v20, vm0, $0xb8;
	[tilespmem:$0x10280] =	vst v63  }
0x4f: {  	s18 =	sadd.s32 $0xE00, s16;
	v43 =	vperm.xlane v19, v12;
	v20 =	vadd.s32 v3, v42  }
0x50: {  	[tilespmem:s18], [sflag:$0x1] =	stream.indirect_vreg.gather [hbm4b:s14+s12], $0x80, v39, vm0, $0xb8;
	[tilespmem:$0x10280] =	vst v63  }
0x51: {  	s19 =	sadd.s32 $0xE80, s16;
	v45 =	vperm.xlane v19, v13;
	v44 =	vadd.s32 v3, v43  }
0x52: {  	[tilespmem:s19], [sflag:$0x1] =	stream.indirect_vreg.gather [hbm4b:s14+s12], $0x80, v41, vm0, $0xb8;
	[tilespmem:$0x10280] =	vst v63  }
0x53: {  	s20 =	sadd.s32 $0xF00, s16;
	v47 =	vperm.xlane v19, v14;
	v46 =	vadd.s32 v3, v45  }
0x54: {  	[tilespmem:s20], [sflag:$0x1] =	stream.indirect_vreg.gather [hbm4b:s14+s12], $0x80, v20, vm0, $0xb8;
	[tilespmem:$0x10280] =	vst v63  }
0x55: {  	s21 =	sadd.s32 $0xF80, s16;
	v48 =	vperm.xlane v19, v15;
	v20 =	vadd.s32 v3, v47  }
0x56: {  	[tilespmem:s21], [sflag:$0x1] =	stream.indirect_vreg.gather [hbm4b:s14+s12], $0x80, v44, vm0, $0xb8;
	[tilespmem:$0x10280] =	vst v63  }
0x57: {  	s22 =	sadd.s32 $0x1000, s16;
	v50 =	vperm.xlane v19, v16;
	v49 =	vadd.s32 v3, v48  }
0x58: {  	[tilespmem:s22], [sflag:$0x1] =	stream.indirect_vreg.gather [hbm4b:s14+s12], $0x80, v46, vm0, $0xb8;
	[tilespmem:$0x10280] =	vst v63  }
0x59: {  	s23 =	sadd.s32 $0x1080, s16;
	v19 =	vperm.xlane v19, v17;
	v51 =	vadd.s32 v3, v50  }
0x5a: {  	[tilespmem:s23], [sflag:$0x1] =	stream.indirect_vreg.gather [hbm4b:s14+s12], $0x80, v20, vm0, $0xb8;
	[tilespmem:$0x10280] =	vst v63  }
0x5b: {  	v19 =	vadd.s32 v3, v19;
	s24 =	sadd.s32 $0x1100, s16  }
0x5c: {  	[tilespmem:s24], [sflag:$0x1] =	stream.indirect_vreg.gather [hbm4b:s14+s12], $0x80, v49, vm0, $0xb8;
	[tilespmem:$0x10280] =	vst v63  }
0x5d: {  	s25 =	sadd.s32 $0x1180, s16  }
0x5e: {  	[tilespmem:s25], [sflag:$0x1] =	stream.indirect_vreg.gather [hbm4b:s14+s12], $0x80, v51, vm0, $0xb8;
	[tilespmem:$0x10280] =	vst v63  }
0x5f: {  	s26 =	sadd.s32 $0x1200, s16  }
0x60: {  	[tilespmem:s26], [sflag:$0x1] =	stream.indirect_vreg.gather [hbm4b:s14+s12], $0x80, v19, vm0, $0xb8;
	[tilespmem:$0x10280] =	vst v63  }
0x61: {  	v19 =	vld [tilespmem:s13+$0xFFFFFFE0];
	_ =	sdelay $0x4  }
0x62: {  	v20 =	vshll.u32 v19, $0x7  }
0x63: {  	v19 =	vand.u32 $0x7, v19;
	v20 =	vand.u32 $0xFFFFFC00, v20  }
0x64: {  	v19 =	vor.u32 v19, v20  }
0x65: {  	v20 =	vperm.xlane v19, v2;
	_ =	sdelay $0x1  }
0x66: {  	v52 =	vperm.xlane v19, v4;
	v20 =	vadd.s32 v3, v20;
	_ =	sdelay $0x1  }
0x67: {  	v53 =	vperm.xlane v19, v5;
	v21 =	vadd.s32 v3, v52;
	_ =	sdelay $0x1  }
0x68: {  	s28 =	sadd.s32 $0x1280, s16;
	v54 =	vperm.xlane v19, v6;
	v22 =	vadd.s32 v3, v53  }
0x69: {  	[tilespmem:s28], [sflag:$0x1] =	stream.indirect_vreg.gather [hbm4b:s14+s12], $0x80, v20, vm0, $0xb8;
	[tilespmem:$0x10280] =	vst v63  }
0x6a: {  	s29 =	sadd.s32 $0x1300, s16;
	v55 =	vperm.xlane v19, v7;
	v20 =	vadd.s32 v3, v54  }
0x6b: {  	[tilespmem:s29], [sflag:$0x1] =	stream.indirect_vreg.gather [hbm4b:s14+s12], $0x80, v21, vm0, $0xb8;
	[tilespmem:$0x10280] =	vst v63  }
0x6c: {  	s30 =	sadd.s32 $0x1380, s16;
	v57 =	vperm.xlane v19, v8;
	v56 =	vadd.s32 v3, v55  }
0x6d: {  	[tilespmem:s30], [sflag:$0x1] =	stream.indirect_vreg.gather [hbm4b:s14+s12], $0x80, v22, vm0, $0xb8;
	[tilespmem:$0x10280] =	vst v63  }
0x6e: {  	s31 =	sadd.s32 $0x1400, s16;
	v59 =	vperm.xlane v19, v9;
	v58 =	vadd.s32 v3, v57  }
0x6f: {  	[tilespmem:s31], [sflag:$0x1] =	stream.indirect_vreg.gather [hbm4b:s14+s12], $0x80, v20, vm0, $0xb8;
	[tilespmem:$0x10280] =	vst v63  }
0x70: {  	s18 =	sadd.s32 $0x1480, s16;
	v60 =	vperm.xlane v19, v0;
	v20 =	vadd.s32 v3, v59  }
0x71: {  	[tilespmem:s18], [sflag:$0x1] =	stream.indirect_vreg.gather [hbm4b:s14+s12], $0x80, v56, vm0, $0xb8;
	[tilespmem:$0x10280] =	vst v63  }
0x72: {  	s19 =	sadd.s32 $0x1500, s16;
	v62 =	vperm.xlane v19, v10;
	v61 =	vadd.s32 v3, v60  }
0x73: {  	[tilespmem:s19], [sflag:$0x1] =	stream.indirect_vreg.gather [hbm4b:s14+s12], $0x80, v58, vm0, $0xb8;
	[tilespmem:$0x10280] =	vst v63  }
0x74: {  	s20 =	sadd.s32 $0x1580, s16;
	v24 =	vperm.xlane v19, v11;
	v63 =	vadd.s32 v3, v62  }
0x75: {  	[tilespmem:s20], [sflag:$0x1] =	stream.indirect_vreg.gather [hbm4b:s14+s12], $0x80, v20, vm0, $0xb8;
	[tilespmem:$0x10280] =	vst v63  }
0x76: {  	s21 =	sadd.s32 $0x1600, s16;
	v25 =	vperm.xlane v19, v12;
	v20 =	vadd.s32 v3, v24  }
0x77: {  	[tilespmem:s21], [sflag:$0x1] =	stream.indirect_vreg.gather [hbm4b:s14+s12], $0x80, v61, vm0, $0xb8;
	[tilespmem:$0x10280] =	vst v63  }
0x78: {  	s22 =	sadd.s32 $0x1680, s16;
	v27 =	vperm.xlane v19, v13;
	v26 =	vadd.s32 v3, v25  }
0x79: {  	[tilespmem:s22], [sflag:$0x1] =	stream.indirect_vreg.gather [hbm4b:s14+s12], $0x80, v63, vm0, $0xb8;
	[tilespmem:$0x10280] =	vst v63  }
0x7a: {  	s23 =	sadd.s32 $0x1700, s16;
	v29 =	vperm.xlane v19, v14;
	v28 =	vadd.s32 v3, v27  }
0x7b: {  	[tilespmem:s23], [sflag:$0x1] =	stream.indirect_vreg.gather [hbm4b:s14+s12], $0x80, v20, vm0, $0xb8;
	[tilespmem:$0x10280] =	vst v63  }
0x7c: {  	s24 =	sadd.s32 $0x1780, s16;
	v30 =	vperm.xlane v19, v15;
	v20 =	vadd.s32 v3, v29  }
0x7d: {  	[tilespmem:s24], [sflag:$0x1] =	stream.indirect_vreg.gather [hbm4b:s14+s12], $0x80, v26, vm0, $0xb8;
	[tilespmem:$0x10280] =	vst v63  }
0x7e: {  	s25 =	sadd.s32 $0x1800, s16;
	v32 =	vperm.xlane v19, v16;
	v31 =	vadd.s32 v3, v30  }
0x7f: {  	[tilespmem:s25], [sflag:$0x1] =	stream.indirect_vreg.gather [hbm4b:s14+s12], $0x80, v28, vm0, $0xb8;
	[tilespmem:$0x10280] =	vst v63  }
0x80: {  	s26 =	sadd.s32 $0x1880, s16;
	v19 =	vperm.xlane v19, v17;
	v33 =	vadd.s32 v3, v32  }
0x81: {  	[tilespmem:s26], [sflag:$0x1] =	stream.indirect_vreg.gather [hbm4b:s14+s12], $0x80, v20, vm0, $0xb8;
	[tilespmem:$0x10280] =	vst v63  }
0x82: {  	v19 =	vadd.s32 v3, v19;
	s28 =	sadd.s32 $0x1900, s16  }
0x83: {  	[tilespmem:s28], [sflag:$0x1] =	stream.indirect_vreg.gather [hbm4b:s14+s12], $0x80, v31, vm0, $0xb8;
	[tilespmem:$0x10280] =	vst v63  }
0x84: {  	s29 =	sadd.s32 $0x1980, s16  }
0x85: {  	[tilespmem:s29], [sflag:$0x1] =	stream.indirect_vreg.gather [hbm4b:s14+s12], $0x80, v33, vm0, $0xb8;
	[tilespmem:$0x10280] =	vst v63  }
0x86: {  	s30 =	sadd.s32 $0x1A00, s16  }
0x87: {  	[tilespmem:s30], [sflag:$0x1] =	stream.indirect_vreg.gather [hbm4b:s14+s12], $0x80, v19, vm0, $0xb8;
	[tilespmem:$0x10280] =	vst v63  }
0x88: {  	v19 =	vld [tilespmem:s13+$0xFFFFFFF0];
	_ =	sdelay $0x4  }
0x89: {  	v20 =	vshll.u32 v19, $0x7  }
0x8a: {  	v19 =	vand.u32 $0x7, v19;
	v20 =	vand.u32 $0xFFFFFC00, v20  }
0x8b: {  	v19 =	vor.u32 v19, v20  }
0x8c: {  	v20 =	vperm.xlane v19, v2;
	_ =	sdelay $0x1  }
0x8d: {  	v34 =	vperm.xlane v19, v4;
	v20 =	vadd.s32 v3, v20;
	_ =	sdelay $0x1  }
0x8e: {  	v35 =	vperm.xlane v19, v5;
	v21 =	vadd.s32 v3, v34;
	_ =	sdelay $0x1  }
0x8f: {  	s31 =	sadd.s32 $0x1A80, s16;
	v36 =	vperm.xlane v19, v6;
	v22 =	vadd.s32 v3, v35  }
0x90: {  	[tilespmem:s31], [sflag:$0x1] =	stream.indirect_vreg.gather [hbm4b:s14+s12], $0x80, v20, vm0, $0xb8;
	[tilespmem:$0x10280] =	vst v63  }
0x91: {  	s18 =	sadd.s32 $0x1B00, s16;
	v37 =	vperm.xlane v19, v7;
	v20 =	vadd.s32 v3, v36  }
0x92: {  	[tilespmem:s18], [sflag:$0x1] =	stream.indirect_vreg.gather [hbm4b:s14+s12], $0x80, v21, vm0, $0xb8;
	[tilespmem:$0x10280] =	vst v63  }
0x93: {  	s19 =	sadd.s32 $0x1B80, s16;
	v39 =	vperm.xlane v19, v8;
	v38 =	vadd.s32 v3, v37  }
0x94: {  	[tilespmem:s19], [sflag:$0x1] =	stream.indirect_vreg.gather [hbm4b:s14+s12], $0x80, v22, vm0, $0xb8;
	[tilespmem:$0x10280] =	vst v63  }
0x95: {  	s20 =	sadd.s32 $0x1C00, s16;
	v41 =	vperm.xlane v19, v9;
	v40 =	vadd.s32 v3, v39  }
0x96: {  	[tilespmem:s20], [sflag:$0x1] =	stream.indirect_vreg.gather [hbm4b:s14+s12], $0x80, v20, vm0, $0xb8;
	[tilespmem:$0x10280] =	vst v63  }
0x97: {  	s21 =	sadd.s32 $0x1C80, s16;
	v42 =	vperm.xlane v19, v0;
	v20 =	vadd.s32 v3, v41  }
0x98: {  	[tilespmem:s21], [sflag:$0x1] =	stream.indirect_vreg.gather [hbm4b:s14+s12], $0x80, v38, vm0, $0xb8;
	[tilespmem:$0x10280] =	vst v63  }
0x99: {  	s22 =	sadd.s32 $0x1D00, s16;
	v44 =	vperm.xlane v19, v10;
	v43 =	vadd.s32 v3, v42  }
0x9a: {  	[tilespmem:s22], [sflag:$0x1] =	stream.indirect_vreg.gather [hbm4b:s14+s12], $0x80, v40, vm0, $0xb8;
	[tilespmem:$0x10280] =	vst v63  }
0x9b: {  	s23 =	sadd.s32 $0x1D80, s16;
	v46 =	vperm.xlane v19, v11;
	v45 =	vadd.s32 v3, v44  }
0x9c: {  	[tilespmem:s23], [sflag:$0x1] =	stream.indirect_vreg.gather [hbm4b:s14+s12], $0x80, v20, vm0, $0xb8;
	[tilespmem:$0x10280] =	vst v63  }
0x9d: {  	s24 =	sadd.s32 $0x1E00, s16;
	v47 =	vperm.xlane v19, v12;
	v20 =	vadd.s32 v3, v46  }
0x9e: {  	[tilespmem:s24], [sflag:$0x1] =	stream.indirect_vreg.gather [hbm4b:s14+s12], $0x80, v43, vm0, $0xb8;
	[tilespmem:$0x10280] =	vst v63  }
0x9f: {  	s25 =	sadd.s32 $0x1E80, s16;
	v49 =	vperm.xlane v19, v13;
	v48 =	vadd.s32 v3, v47  }
0xa0: {  	[tilespmem:s25], [sflag:$0x1] =	stream.indirect_vreg.gather [hbm4b:s14+s12], $0x80, v45, vm0, $0xb8;
	[tilespmem:$0x10280] =	vst v63  }
0xa1: {  	s26 =	sadd.s32 $0x1F00, s16;
	v51 =	vperm.xlane v19, v14;
	v50 =	vadd.s32 v3, v49  }
0xa2: {  	[tilespmem:s26], [sflag:$0x1] =	stream.indirect_vreg.gather [hbm4b:s14+s12], $0x80, v20, vm0, $0xb8;
	[tilespmem:$0x10280] =	vst v63  }
0xa3: {  	s28 =	sadd.s32 $0x1F80, s16;
	v52 =	vperm.xlane v19, v15;
	v20 =	vadd.s32 v3, v51  }
0xa4: {  	[tilespmem:s28], [sflag:$0x1] =	stream.indirect_vreg.gather [hbm4b:s14+s12], $0x80, v48, vm0, $0xb8;
	[tilespmem:$0x10280] =	vst v63  }
0xa5: {  	s29 =	sadd.s32 $0x2000, s16;
	v54 =	vperm.xlane v19, v16;
	v53 =	vadd.s32 v3, v52  }
0xa6: {  	[tilespmem:s29], [sflag:$0x1] =	stream.indirect_vreg.gather [hbm4b:s14+s12], $0x80, v50, vm0, $0xb8;
	[tilespmem:$0x10280] =	vst v63  }
0xa7: {  	s30 =	sadd.s32 $0x2080, s16;
	v19 =	vperm.xlane v19, v17;
	v55 =	vadd.s32 v3, v54  }
0xa8: {  	[tilespmem:s30], [sflag:$0x1] =	stream.indirect_vreg.gather [hbm4b:s14+s12], $0x80, v20, vm0, $0xb8;
	[tilespmem:$0x10280] =	vst v63  }
0xa9: {  	v19 =	vadd.s32 v3, v19;
	s31 =	sadd.s32 $0x2100, s16  }
0xaa: {  	[tilespmem:s31], [sflag:$0x1] =	stream.indirect_vreg.gather [hbm4b:s14+s12], $0x80, v53, vm0, $0xb8;
	[tilespmem:$0x10280] =	vst v63  }
0xab: {  	s18 =	sadd.s32 $0x2180, s16  }
0xac: {  	[tilespmem:s18], [sflag:$0x1] =	stream.indirect_vreg.gather [hbm4b:s14+s12], $0x80, v55, vm0, $0xb8;
	[tilespmem:$0x10280] =	vst v63  }
0xad: {  	s19 =	sadd.s32 $0x2200, s16  }
0xae: {  	[tilespmem:s19], [sflag:$0x1] =	stream.indirect_vreg.gather [hbm4b:s14+s12], $0x80, v19, vm0, $0xb8;
	[tilespmem:$0x10280] =	vst v63  }
0xaf: {  	v19 =	vld [tilespmem:s13+$0x0];
	_ =	sdelay $0x4  }
0xb0: {  	v20 =	vshll.u32 v19, $0x7  }
0xb1: {  	v19 =	vand.u32 $0x7, v19;
	v20 =	vand.u32 $0xFFFFFC00, v20  }
0xb2: {  	v19 =	vor.u32 v19, v20  }
0xb3: {  	v20 =	vperm.xlane v19, v2;
	_ =	sdelay $0x1  }
0xb4: {  	v56 =	vperm.xlane v19, v4;
	v20 =	vadd.s32 v3, v20;
	_ =	sdelay $0x1  }
0xb5: {  	v57 =	vperm.xlane v19, v5;
	v21 =	vadd.s32 v3, v56;
	_ =	sdelay $0x1  }
0xb6: {  	s20 =	sadd.s32 $0x2280, s16;
	v58 =	vperm.xlane v19, v6;
	v22 =	vadd.s32 v3, v57  }
0xb7: {  	[tilespmem:s20], [sflag:$0x1] =	stream.indirect_vreg.gather [hbm4b:s14+s12], $0x80, v20, vm0, $0xb8;
	[tilespmem:$0x10280] =	vst v63  }
0xb8: {  	s21 =	sadd.s32 $0x2300, s16;
	v59 =	vperm.xlane v19, v7;
	v20 =	vadd.s32 v3, v58  }
0xb9: {  	[tilespmem:s21], [sflag:$0x1] =	stream.indirect_vreg.gather [hbm4b:s14+s12], $0x80, v21, vm0, $0xb8;
	[tilespmem:$0x10280] =	vst v63  }
0xba: {  	s22 =	sadd.s32 $0x2380, s16;
	v61 =	vperm.xlane v19, v8;
	v60 =	vadd.s32 v3, v59  }
0xbb: {  	[tilespmem:s22], [sflag:$0x1] =	stream.indirect_vreg.gather [hbm4b:s14+s12], $0x80, v22, vm0, $0xb8;
	[tilespmem:$0x10280] =	vst v63  }
0xbc: {  	s23 =	sadd.s32 $0x2400, s16;
	v63 =	vperm.xlane v19, v9;
	v62 =	vadd.s32 v3, v61  }
0xbd: {  	[tilespmem:s23], [sflag:$0x1] =	stream.indirect_vreg.gather [hbm4b:s14+s12], $0x80, v20, vm0, $0xb8;
	[tilespmem:$0x10280] =	vst v63  }
0xbe: {  	s24 =	sadd.s32 $0x2480, s16;
	v24 =	vperm.xlane v19, v0;
	v20 =	vadd.s32 v3, v63  }
0xbf: {  	[tilespmem:s24], [sflag:$0x1] =	stream.indirect_vreg.gather [hbm4b:s14+s12], $0x80, v60, vm0, $0xb8;
	[tilespmem:$0x10280] =	vst v63  }
0xc0: {  	s25 =	sadd.s32 $0x2500, s16;
	v26 =	vperm.xlane v19, v10;
	v25 =	vadd.s32 v3, v24  }
0xc1: {  	[tilespmem:s25], [sflag:$0x1] =	stream.indirect_vreg.gather [hbm4b:s14+s12], $0x80, v62, vm0, $0xb8;
	[tilespmem:$0x10280] =	vst v63  }
0xc2: {  	s26 =	sadd.s32 $0x2580, s16;
	v28 =	vperm.xlane v19, v11;
	v27 =	vadd.s32 v3, v26  }
0xc3: {  	[tilespmem:s26], [sflag:$0x1] =	stream.indirect_vreg.gather [hbm4b:s14+s12], $0x80, v20, vm0, $0xb8;
	[tilespmem:$0x10280] =	vst v63  }
0xc4: {  	s28 =	sadd.s32 $0x2600, s16;
	v29 =	vperm.xlane v19, v12;
	v20 =	vadd.s32 v3, v28  }
0xc5: {  	[tilespmem:s28], [sflag:$0x1] =	stream.indirect_vreg.gather [hbm4b:s14+s12], $0x80, v25, vm0, $0xb8;
	[tilespmem:$0x10280] =	vst v63  }
0xc6: {  	s29 =	sadd.s32 $0x2680, s16;
	v31 =	vperm.xlane v19, v13;
	v30 =	vadd.s32 v3, v29  }
0xc7: {  	[tilespmem:s29], [sflag:$0x1] =	stream.indirect_vreg.gather [hbm4b:s14+s12], $0x80, v27, vm0, $0xb8;
	[tilespmem:$0x10280] =	vst v63  }
0xc8: {  	s30 =	sadd.s32 $0x2700, s16;
	v33 =	vperm.xlane v19, v14;
	v32 =	vadd.s32 v3, v31  }
0xc9: {  	[tilespmem:s30], [sflag:$0x1] =	stream.indirect_vreg.gather [hbm4b:s14+s12], $0x80, v20, vm0, $0xb8;
	[tilespmem:$0x10280] =	vst v63  }
0xca: {  	s31 =	sadd.s32 $0x2780, s16;
	v34 =	vperm.xlane v19, v15;
	v20 =	vadd.s32 v3, v33  }
0xcb: {  	[tilespmem:s31], [sflag:$0x1] =	stream.indirect_vreg.gather [hbm4b:s14+s12], $0x80, v30, vm0, $0xb8;
	[tilespmem:$0x10280] =	vst v63  }
0xcc: {  	s18 =	sadd.s32 $0x2800, s16;
	v36 =	vperm.xlane v19, v16;
	v35 =	vadd.s32 v3, v34  }
0xcd: {  	[tilespmem:s18], [sflag:$0x1] =	stream.indirect_vreg.gather [hbm4b:s14+s12], $0x80, v32, vm0, $0xb8;
	[tilespmem:$0x10280] =	vst v63  }
0xce: {  	s19 =	sadd.s32 $0x2880, s16;
	v19 =	vperm.xlane v19, v17;
	v37 =	vadd.s32 v3, v36  }
0xcf: {  	[tilespmem:s19], [sflag:$0x1] =	stream.indirect_vreg.gather [hbm4b:s14+s12], $0x80, v20, vm0, $0xb8;
	[tilespmem:$0x10280] =	vst v63  }
0xd0: {  	v19 =	vadd.s32 v3, v19;
	s20 =	sadd.s32 $0x2900, s16  }
0xd1: {  	[tilespmem:s20], [sflag:$0x1] =	stream.indirect_vreg.gather [hbm4b:s14+s12], $0x80, v35, vm0, $0xb8;
	[tilespmem:$0x10280] =	vst v63  }
0xd2: {  	s21 =	sadd.s32 $0x2980, s16  }
0xd3: {  	[tilespmem:s21], [sflag:$0x1] =	stream.indirect_vreg.gather [hbm4b:s14+s12], $0x80, v37, vm0, $0xb8;
	[tilespmem:$0x10280] =	vst v63  }
0xd4: {  	s22 =	sadd.s32 $0x2A00, s16  }
0xd5: {  	[tilespmem:s22], [sflag:$0x1] =	stream.indirect_vreg.gather [hbm4b:s14+s12], $0x80, v19, vm0, $0xb8;
	[tilespmem:$0x10280] =	vst v63  }
0xd6: {  	v19 =	vld [tilespmem:s13+$0x10];
	_ =	sdelay $0x4  }
0xd7: {  	v20 =	vshll.u32 v19, $0x7  }
0xd8: {  	v19 =	vand.u32 $0x7, v19;
	v20 =	vand.u32 $0xFFFFFC00, v20  }
0xd9: {  	v19 =	vor.u32 v19, v20  }
0xda: {  	v20 =	vperm.xlane v19, v2;
	_ =	sdelay $0x1  }
0xdb: {  	v38 =	vperm.xlane v19, v4;
	v20 =	vadd.s32 v3, v20;
	_ =	sdelay $0x1  }
0xdc: {  	v39 =	vperm.xlane v19, v5;
	v21 =	vadd.s32 v3, v38;
	_ =	sdelay $0x1  }
0xdd: {  	s23 =	sadd.s32 $0x2A80, s16;
	v40 =	vperm.xlane v19, v6;
	v22 =	vadd.s32 v3, v39  }
0xde: {  	[tilespmem:s23], [sflag:$0x1] =	stream.indirect_vreg.gather [hbm4b:s14+s12], $0x80, v20, vm0, $0xb8;
	[tilespmem:$0x10280] =	vst v63  }
0xdf: {  	s24 =	sadd.s32 $0x2B00, s16;
	v41 =	vperm.xlane v19, v7;
	v20 =	vadd.s32 v3, v40  }
0xe0: {  	[tilespmem:s24], [sflag:$0x1] =	stream.indirect_vreg.gather [hbm4b:s14+s12], $0x80, v21, vm0, $0xb8;
	[tilespmem:$0x10280] =	vst v63  }
0xe1: {  	s25 =	sadd.s32 $0x2B80, s16;
	v43 =	vperm.xlane v19, v8;
	v42 =	vadd.s32 v3, v41  }
0xe2: {  	[tilespmem:s25], [sflag:$0x1] =	stream.indirect_vreg.gather [hbm4b:s14+s12], $0x80, v22, vm0, $0xb8;
	[tilespmem:$0x10280] =	vst v63  }
0xe3: {  	s26 =	sadd.s32 $0x2C00, s16;
	v45 =	vperm.xlane v19, v9;
	v44 =	vadd.s32 v3, v43  }
0xe4: {  	[tilespmem:s26], [sflag:$0x1] =	stream.indirect_vreg.gather [hbm4b:s14+s12], $0x80, v20, vm0, $0xb8;
	[tilespmem:$0x10280] =	vst v63  }
0xe5: {  	s28 =	sadd.s32 $0x2C80, s16;
	v46 =	vperm.xlane v19, v0;
	v20 =	vadd.s32 v3, v45  }
0xe6: {  	[tilespmem:s28], [sflag:$0x1] =	stream.indirect_vreg.gather [hbm4b:s14+s12], $0x80, v42, vm0, $0xb8;
	[tilespmem:$0x10280] =	vst v63  }
0xe7: {  	s29 =	sadd.s32 $0x2D00, s16;
	v48 =	vperm.xlane v19, v10;
	v47 =	vadd.s32 v3, v46  }
0xe8: {  	[tilespmem:s29], [sflag:$0x1] =	stream.indirect_vreg.gather [hbm4b:s14+s12], $0x80, v44, vm0, $0xb8;
	[tilespmem:$0x10280] =	vst v63  }
0xe9: {  	s30 =	sadd.s32 $0x2D80, s16;
	v50 =	vperm.xlane v19, v11;
	v49 =	vadd.s32 v3, v48  }
0xea: {  	[tilespmem:s30], [sflag:$0x1] =	stream.indirect_vreg.gather [hbm4b:s14+s12], $0x80, v20, vm0, $0xb8;
	[tilespmem:$0x10280] =	vst v63  }
0xeb: {  	s31 =	sadd.s32 $0x2E00, s16;
	v51 =	vperm.xlane v19, v12;
	v20 =	vadd.s32 v3, v50  }
0xec: {  	[tilespmem:s31], [sflag:$0x1] =	stream.indirect_vreg.gather [hbm4b:s14+s12], $0x80, v47, vm0, $0xb8;
	[tilespmem:$0x10280] =	vst v63  }
0xed: {  	s18 =	sadd.s32 $0x2E80, s16;
	v53 =	vperm.xlane v19, v13;
	v52 =	vadd.s32 v3, v51  }
0xee: {  	[tilespmem:s18], [sflag:$0x1] =	stream.indirect_vreg.gather [hbm4b:s14+s12], $0x80, v49, vm0, $0xb8;
	[tilespmem:$0x10280] =	vst v63  }
0xef: {  	s19 =	sadd.s32 $0x2F00, s16;
	v55 =	vperm.xlane v19, v14;
	v54 =	vadd.s32 v3, v53  }
0xf0: {  	[tilespmem:s19], [sflag:$0x1] =	stream.indirect_vreg.gather [hbm4b:s14+s12], $0x80, v20, vm0, $0xb8;
	[tilespmem:$0x10280] =	vst v63  }
0xf1: {  	s20 =	sadd.s32 $0x2F80, s16;
	v56 =	vperm.xlane v19, v15;
	v20 =	vadd.s32 v3, v55  }
0xf2: {  	[tilespmem:s20], [sflag:$0x1] =	stream.indirect_vreg.gather [hbm4b:s14+s12], $0x80, v52, vm0, $0xb8;
	[tilespmem:$0x10280] =	vst v63  }
0xf3: {  	s21 =	sadd.s32 $0x3000, s16;
	v58 =	vperm.xlane v19, v16;
	v57 =	vadd.s32 v3, v56  }
0xf4: {  	[tilespmem:s21], [sflag:$0x1] =	stream.indirect_vreg.gather [hbm4b:s14+s12], $0x80, v54, vm0, $0xb8;
	[tilespmem:$0x10280] =	vst v63  }
0xf5: {  	s22 =	sadd.s32 $0x3080, s16;
	v19 =	vperm.xlane v19, v17;
	v59 =	vadd.s32 v3, v58  }
0xf6: {  	[tilespmem:s22], [sflag:$0x1] =	stream.indirect_vreg.gather [hbm4b:s14+s12], $0x80, v20, vm0, $0xb8;
	[tilespmem:$0x10280] =	vst v63  }
0xf7: {  	v19 =	vadd.s32 v3, v19;
	s23 =	sadd.s32 $0x3100, s16  }
0xf8: {  	[tilespmem:s23], [sflag:$0x1] =	stream.indirect_vreg.gather [hbm4b:s14+s12], $0x80, v57, vm0, $0xb8;
	[tilespmem:$0x10280] =	vst v63  }
0xf9: {  	s24 =	sadd.s32 $0x3180, s16  }
0xfa: {  	[tilespmem:s24], [sflag:$0x1] =	stream.indirect_vreg.gather [hbm4b:s14+s12], $0x80, v59, vm0, $0xb8;
	[tilespmem:$0x10280] =	vst v63  }
0xfb: {  	s25 =	sadd.s32 $0x3200, s16  }
0xfc: {  	[tilespmem:s25], [sflag:$0x1] =	stream.indirect_vreg.gather [hbm4b:s14+s12], $0x80, v19, vm0, $0xb8;
	[tilespmem:$0x10280] =	vst v63  }
0xfd: {  	v19 =	vld [tilespmem:s13+$0x20];
	_ =	sdelay $0x4  }
0xfe: {  	v20 =	vshll.u32 v19, $0x7  }
0xff: {  	v19 =	vand.u32 $0x7, v19;
	v20 =	vand.u32 $0xFFFFFC00, v20  }
0x100: {  	v19 =	vor.u32 v19, v20  }
0x101: {  	v20 =	vperm.xlane v19, v2;
	_ =	sdelay $0x1  }
0x102: {  	v60 =	vperm.xlane v19, v4;
	v20 =	vadd.s32 v3, v20;
	_ =	sdelay $0x1  }
0x103: {  	v61 =	vperm.xlane v19, v5;
	v21 =	vadd.s32 v3, v60;
	_ =	sdelay $0x1  }
0x104: {  	s26 =	sadd.s32 $0x3280, s16;
	v62 =	vperm.xlane v19, v6;
	v22 =	vadd.s32 v3, v61  }
0x105: {  	[tilespmem:s26], [sflag:$0x1] =	stream.indirect_vreg.gather [hbm4b:s14+s12], $0x80, v20, vm0, $0xb8;
	[tilespmem:$0x10280] =	vst v63  }
0x106: {  	s28 =	sadd.s32 $0x3300, s16;
	v63 =	vperm.xlane v19, v7;
	v20 =	vadd.s32 v3, v62  }
0x107: {  	[tilespmem:s28], [sflag:$0x1] =	stream.indirect_vreg.gather [hbm4b:s14+s12], $0x80, v21, vm0, $0xb8;
	[tilespmem:$0x10280] =	vst v63  }
0x108: {  	s29 =	sadd.s32 $0x3380, s16;
	v25 =	vperm.xlane v19, v8;
	v24 =	vadd.s32 v3, v63  }
0x109: {  	[tilespmem:s29], [sflag:$0x1] =	stream.indirect_vreg.gather [hbm4b:s14+s12], $0x80, v22, vm0, $0xb8;
	[tilespmem:$0x10280] =	vst v63  }
0x10a: {  	s30 =	sadd.s32 $0x3400, s16;
	v27 =	vperm.xlane v19, v9;
	v26 =	vadd.s32 v3, v25  }
0x10b: {  	[tilespmem:s30], [sflag:$0x1] =	stream.indirect_vreg.gather [hbm4b:s14+s12], $0x80, v20, vm0, $0xb8;
	[tilespmem:$0x10280] =	vst v63  }
0x10c: {  	s31 =	sadd.s32 $0x3480, s16;
	v28 =	vperm.xlane v19, v0;
	v20 =	vadd.s32 v3, v27  }
0x10d: {  	[tilespmem:s31], [sflag:$0x1] =	stream.indirect_vreg.gather [hbm4b:s14+s12], $0x80, v24, vm0, $0xb8;
	[tilespmem:$0x10280] =	vst v63  }
0x10e: {  	s18 =	sadd.s32 $0x3500, s16;
	v30 =	vperm.xlane v19, v10;
	v29 =	vadd.s32 v3, v28  }
0x10f: {  	[tilespmem:s18], [sflag:$0x1] =	stream.indirect_vreg.gather [hbm4b:s14+s12], $0x80, v26, vm0, $0xb8;
	[tilespmem:$0x10280] =	vst v63  }
0x110: {  	s19 =	sadd.s32 $0x3580, s16;
	v32 =	vperm.xlane v19, v11;
	v31 =	vadd.s32 v3, v30  }
0x111: {  	[tilespmem:s19], [sflag:$0x1] =	stream.indirect_vreg.gather [hbm4b:s14+s12], $0x80, v20, vm0, $0xb8;
	[tilespmem:$0x10280] =	vst v63  }
0x112: {  	s20 =	sadd.s32 $0x3600, s16;
	v33 =	vperm.xlane v19, v12;
	v20 =	vadd.s32 v3, v32  }
0x113: {  	[tilespmem:s20], [sflag:$0x1] =	stream.indirect_vreg.gather [hbm4b:s14+s12], $0x80, v29, vm0, $0xb8;
	[tilespmem:$0x10280] =	vst v63  }
0x114: {  	s21 =	sadd.s32 $0x3680, s16;
	v35 =	vperm.xlane v19, v13;
	v34 =	vadd.s32 v3, v33  }
0x115: {  	[tilespmem:s21], [sflag:$0x1] =	stream.indirect_vreg.gather [hbm4b:s14+s12], $0x80, v31, vm0, $0xb8;
	[tilespmem:$0x10280] =	vst v63  }
0x116: {  	s22 =	sadd.s32 $0x3700, s16;
	v37 =	vperm.xlane v19, v14;
	v36 =	vadd.s32 v3, v35  }
0x117: {  	[tilespmem:s22], [sflag:$0x1] =	stream.indirect_vreg.gather [hbm4b:s14+s12], $0x80, v20, vm0, $0xb8;
	[tilespmem:$0x10280] =	vst v63  }
0x118: {  	s23 =	sadd.s32 $0x3780, s16;
	v38 =	vperm.xlane v19, v15;
	v20 =	vadd.s32 v3, v37  }
0x119: {  	[tilespmem:s23], [sflag:$0x1] =	stream.indirect_vreg.gather [hbm4b:s14+s12], $0x80, v34, vm0, $0xb8;
	[tilespmem:$0x10280] =	vst v63  }
0x11a: {  	s24 =	sadd.s32 $0x3800, s16;
	v40 =	vperm.xlane v19, v16;
	v39 =	vadd.s32 v3, v38  }
0x11b: {  	[tilespmem:s24], [sflag:$0x1] =	stream.indirect_vreg.gather [hbm4b:s14+s12], $0x80, v36, vm0, $0xb8;
	[tilespmem:$0x10280] =	vst v63  }
0x11c: {  	s25 =	sadd.s32 $0x3880, s16;
	v19 =	vperm.xlane v19, v17;
	v41 =	vadd.s32 v3, v40  }
0x11d: {  	[tilespmem:s25], [sflag:$0x1] =	stream.indirect_vreg.gather [hbm4b:s14+s12], $0x80, v20, vm0, $0xb8;
	[tilespmem:$0x10280] =	vst v63  }
0x11e: {  	v19 =	vadd.s32 v3, v19;
	s26 =	sadd.s32 $0x3900, s16  }
0x11f: {  	[tilespmem:s26], [sflag:$0x1] =	stream.indirect_vreg.gather [hbm4b:s14+s12], $0x80, v39, vm0, $0xb8;
	[tilespmem:$0x10280] =	vst v63  }
0x120: {  	s28 =	sadd.s32 $0x3980, s16  }
0x121: {  	[tilespmem:s28], [sflag:$0x1] =	stream.indirect_vreg.gather [hbm4b:s14+s12], $0x80, v41, vm0, $0xb8;
	[tilespmem:$0x10280] =	vst v63  }
0x122: {  	s29 =	sadd.s32 $0x3A00, s16  }
0x123: {  	[tilespmem:s29], [sflag:$0x1] =	stream.indirect_vreg.gather [hbm4b:s14+s12], $0x80, v19, vm0, $0xb8;
	[tilespmem:$0x10280] =	vst v63  }
0x124: {  	v19 =	vld [tilespmem:s13+$0x30];
	_ =	sdelay $0x4  }
0x125: {  	v20 =	vshll.u32 v19, $0x7  }
0x126: {  	v19 =	vand.u32 $0x7, v19;
	v20 =	vand.u32 $0xFFFFFC00, v20  }
0x127: {  	v19 =	vor.u32 v19, v20  }
0x128: {  	v20 =	vperm.xlane v19, v2;
	_ =	sdelay $0x1  }
0x129: {  	v42 =	vperm.xlane v19, v4;
	v20 =	vadd.s32 v3, v20;
	_ =	sdelay $0x1  }
0x12a: {  	v43 =	vperm.xlane v19, v5;
	v21 =	vadd.s32 v3, v42;
	_ =	sdelay $0x1  }
0x12b: {  	s30 =	sadd.s32 $0x3A80, s16;
	v44 =	vperm.xlane v19, v6;
	v22 =	vadd.s32 v3, v43  }
0x12c: {  	[tilespmem:s30], [sflag:$0x1] =	stream.indirect_vreg.gather [hbm4b:s14+s12], $0x80, v20, vm0, $0xb8;
	[tilespmem:$0x10280] =	vst v63  }
0x12d: {  	s31 =	sadd.s32 $0x3B00, s16;
	v45 =	vperm.xlane v19, v7;
	v20 =	vadd.s32 v3, v44  }
0x12e: {  	[tilespmem:s31], [sflag:$0x1] =	stream.indirect_vreg.gather [hbm4b:s14+s12], $0x80, v21, vm0, $0xb8;
	[tilespmem:$0x10280] =	vst v63  }
0x12f: {  	s18 =	sadd.s32 $0x3B80, s16;
	v47 =	vperm.xlane v19, v8;
	v46 =	vadd.s32 v3, v45  }
0x130: {  	[tilespmem:s18], [sflag:$0x1] =	stream.indirect_vreg.gather [hbm4b:s14+s12], $0x80, v22, vm0, $0xb8;
	[tilespmem:$0x10280] =	vst v63  }
0x131: {  	s19 =	sadd.s32 $0x3C00, s16;
	v49 =	vperm.xlane v19, v9;
	v48 =	vadd.s32 v3, v47  }
0x132: {  	[tilespmem:s19], [sflag:$0x1] =	stream.indirect_vreg.gather [hbm4b:s14+s12], $0x80, v20, vm0, $0xb8;
	[tilespmem:$0x10280] =	vst v63  }
0x133: {  	s20 =	sadd.s32 $0x3C80, s16;
	v50 =	vperm.xlane v19, v0;
	v20 =	vadd.s32 v3, v49  }
0x134: {  	[tilespmem:s20], [sflag:$0x1] =	stream.indirect_vreg.gather [hbm4b:s14+s12], $0x80, v46, vm0, $0xb8;
	[tilespmem:$0x10280] =	vst v63  }
0x135: {  	s21 =	sadd.s32 $0x3D00, s16;
	v52 =	vperm.xlane v19, v10;
	v51 =	vadd.s32 v3, v50  }
0x136: {  	[tilespmem:s21], [sflag:$0x1] =	stream.indirect_vreg.gather [hbm4b:s14+s12], $0x80, v48, vm0, $0xb8;
	[tilespmem:$0x10280] =	vst v63  }
0x137: {  	s22 =	sadd.s32 $0x3D80, s16;
	v54 =	vperm.xlane v19, v11;
	v53 =	vadd.s32 v3, v52  }
0x138: {  	[tilespmem:s22], [sflag:$0x1] =	stream.indirect_vreg.gather [hbm4b:s14+s12], $0x80, v20, vm0, $0xb8;
	[tilespmem:$0x10280] =	vst v63  }
0x139: {  	s23 =	sadd.s32 $0x3E00, s16;
	v55 =	vperm.xlane v19, v12;
	v20 =	vadd.s32 v3, v54  }
0x13a: {  	[tilespmem:s23], [sflag:$0x1] =	stream.indirect_vreg.gather [hbm4b:s14+s12], $0x80, v51, vm0, $0xb8;
	[tilespmem:$0x10280] =	vst v63  }
0x13b: {  	s24 =	sadd.s32 $0x3E80, s16;
	v57 =	vperm.xlane v19, v13;
	v56 =	vadd.s32 v3, v55  }
0x13c: {  	[tilespmem:s24], [sflag:$0x1] =	stream.indirect_vreg.gather [hbm4b:s14+s12], $0x80, v53, vm0, $0xb8;
	[tilespmem:$0x10280] =	vst v63  }
0x13d: {  	s25 =	sadd.s32 $0x3F00, s16;
	v59 =	vperm.xlane v19, v14;
	v58 =	vadd.s32 v3, v57  }
0x13e: {  	[tilespmem:s25], [sflag:$0x1] =	stream.indirect_vreg.gather [hbm4b:s14+s12], $0x80, v20, vm0, $0xb8;
	[tilespmem:$0x10280] =	vst v63  }
0x13f: {  	s26 =	sadd.s32 $0x3F80, s16;
	v60 =	vperm.xlane v19, v15;
	v20 =	vadd.s32 v3, v59  }
0x140: {  	[tilespmem:s26], [sflag:$0x1] =	stream.indirect_vreg.gather [hbm4b:s14+s12], $0x80, v56, vm0, $0xb8;
	[tilespmem:$0x10280] =	vst v63  }
0x141: {  	s28 =	sadd.s32 $0x4000, s16;
	v62 =	vperm.xlane v19, v16;
	v61 =	vadd.s32 v3, v60  }
0x142: {  	[tilespmem:s28], [sflag:$0x1] =	stream.indirect_vreg.gather [hbm4b:s14+s12], $0x80, v58, vm0, $0xb8;
	[tilespmem:$0x10280] =	vst v63  }
0x143: {  	s29 =	sadd.s32 $0x4080, s16;
	v19 =	vperm.xlane v19, v17;
	v63 =	vadd.s32 v3, v62  }
0x144: {  	[tilespmem:s29], [sflag:$0x1] =	stream.indirect_vreg.gather [hbm4b:s14+s12], $0x80, v20, vm0, $0xb8;
	[tilespmem:$0x10280] =	vst v63  }
0x145: {  	p0 =	seq.s32 s15, $0x30000;
	v19 =	vadd.s32 v3, v19;
	s30 =	sadd.s32 $0x4100, s16  }
0x146: {  	[tilespmem:s30], [sflag:$0x1] =	stream.indirect_vreg.gather [hbm4b:s14+s12], $0x80, v61, vm0, $0xb8;
	[tilespmem:$0x10280] =	vst v63  }
.Ltmp0:
0x147: {  	s31 =	sadd.s32 $0x4180, s16;
	(pc) =	sbr.rel @!p0 .LBB2_2-.Ltmp0, $4  }
0x148: {  	[tilespmem:s31], [sflag:$0x1] =	stream.indirect_vreg.gather [hbm4b:s14+s12], $0x80, v63, vm0, $0xb8;
	[tilespmem:$0x10280] =	vst v63  }
0x149: {  	s16 =	sadd.s32 $0x4200, s16  }
0x14a: {  	[tilespmem:s16], [sflag:$0x1] =	stream.indirect_vreg.gather [hbm4b:s14+s12], $0x80, v19, vm0, $0xb8;
	[tilespmem:$0x10280] =	vst v63  }
0x14b: {  	s15 =	sadd.s32 $0x10000, s15;
	s13 =	sadd.s32 $0x80, s13;
	s14 =	sadd.s32 $0x80, s14  }
0x14c: {  	v19 =	vimm.f32 $0.0e+00;
	s13 =	simm.s32 $0x0  }
.LBB2_5:
0x14d: {  	s14 =	sshll.u32 s13, $0x3  }
0x14e: {  	v20 =	vor.u32 s12, v1;
	s15 =	sshll.u32 s14, $0xB  }
0x14f: {  	v21 =	vshll.u32 v20, $0x7;
	s15 =	sand.u32 $0xFFFFC000, s15  }
0x150: {  	v21 =	vor.u32 s15, v21  }
0x151: {  	v20 =	vor.u32 v20, v21;
	_ =	sdelay $0x1  }
0x152: {  	_ =	swait.ge [sflag:s8], $0x4000  }
0x153: {  	[sflag:s8] =	ssyncset.done $0x0  }
0x154: {  	[sflag:s8] =	ssyncadd.s32 $0xFFFFC000  }
0x155: {  	v28 =	vld.idx.msk [tilespmem:v20+s9+$0x0], $0xffff;
	_ =	sdelay $0x2  }
0x156: {  	s23 =	simm.s32 $0x10;
	s14 =	sadd.s32 $0x1, s14  }
0x157: {  	s24 =	sshll.u32 s14, $0xB;
	v20 =	vor.u32 s23, v1  }
0x158: {  	s15 =	sand.u32 $0xFFFFC000, s24;
	v21 =	vshll.u32 v20, $0x7;
	v22 =	vand.u32 $0x7FFFFF, v28  }
0x159: {  	v21 =	vor.u32 s15, v21;
	v22 =	vor.u32 $0x3F800000, v22  }
0x15a: {  	v20 =	vor.u32 v20, v21;
	v21 =	vmul.f32 $5.000000000e-01, v22  }
0x15b: {  	vm1 =	vgt.f32 v22, $1.414213540e+00  }
0x15c: {  	v21 =	vsel vm1, v21, v22  }
0x15d: {  	v22 =	vadd.f32 $1.000000000e+00, v21;
	_ =	sdelay $0x1  }
0x15e: {  	v20 =	vld.idx.msk [tilespmem:v20+s9+$0x0], $0xffff;
	(erf) = vrcp.f32 v22  }
0x15f: {  	s25 =	simm.s32 $0x20;
	s14 =	sadd.s32 $0x1, s14  }
0x160: {  	s26 =	sshll.u32 s14, $0xB;
	v22 =	vor.u32 s25, v1  }
0x161: {  	s15 =	sand.u32 $0xFFFFC000, s26;
	v23 =	vshll.u32 v22, $0x7  }
0x162: {  	v23 =	vor.u32 s15, v23  }
0x163: {  	v24 =	vand.u32 $0x7FFFFF, v20;
	v22 =	vor.u32 v22, v23  }
0x164: {  	v24 =	vor.u32 $0x3F800000, v24  }
0x165: {  	v23 =	vmul.f32 $5.000000000e-01, v24  }
0x166: {  	v21 =	vadd.f32 $-1.000000000e+00, v21;
	vm2 =	vgt.f32 v24, $1.414213540e+00  }
0x167: {  	v23 =	vsel vm2, v23, v24;
	v24 =	vpop (erf)  }
0x168: {  	v25 =	vadd.f32 $1.000000000e+00, v23;
	v31 =	vmul.f32 v24, v21;
	v21 =	vld.idx.msk [tilespmem:v22+s9+$0x0], $0xffff;
	_ =	sdelay $0x1  }
0x169: {  	(erf) = vrcp.f32 v25;
	v22 =	vshra.s32 v28, $0x17;
	v24 =	vsel vm1, $0xFFFFFF82, v18  }
0x16a: {  	s28 =	simm.s32 $0x30;
	s14 =	sadd.s32 $0x1, s14;
	v22 =	vadd.s32 v22, v24;
	v32 =	vmul.f32 v31, v31  }
0x16b: {  	s29 =	sshll.u32 s14, $0xB;
	v27 =	vcvt.s32.f32 v22;
	v22 =	vor.u32 s28, v1  }
0x16c: {  	s15 =	sand.u32 $0xFFFFC000, s29;
	v26 =	vshll.u32 v22, $0x7;
	v24 =	vmul.f32 $1.111111120e-01, v32;
	v30 =	vand.u32 $0x7FFFFF, v21  }
0x16d: {  	v26 =	vor.u32 s15, v26;
	v30 =	vor.u32 $0x3F800000, v30  }
0x16e: {  	v22 =	vor.u32 v22, v26;
	v24 =	vadd.f32 $1.428571490e-01, v24;
	v26 =	vmul.f32 $5.000000000e-01, v30  }
0x16f: {  	v29 =	vsel vm2, $0xFFFFFF82, v18;
	v25 =	vshra.s32 v20, $0x17  }
0x170: {  	v23 =	vadd.f32 $-1.000000000e+00, v23;
	v25 =	vadd.s32 v25, v29;
	v24 =	vmul.f32 v24, v32  }
0x171: {  	v29 =	vcvt.s32.f32 v25;
	v33 =	vshra.s32 v21, $0x17;
	vm1 =	vgt.f32 v30, $1.414213540e+00  }
0x172: {  	v34 =	vsel vm1, $0xFFFFFF82, v18;
	v35 =	vsel vm1, v26, v30;
	v24 =	vadd.f32 $2.000000030e-01, v24;
	v26 =	vpop (erf)  }
0x173: {  	v30 =	vadd.s32 v33, v34;
	v56 =	vadd.f32 $1.000000000e+00, v35;
	v26 =	vmul.f32 v26, v23  }
0x174: {  	v57 =	vsub.f32 $1.000000000e+00, v28;
	v23 =	vmul.f32 v24, v32;
	v24 =	vcvt.s32.f32 v30  }
0x175: {  	v25 =	vsub.f32 $1.000000000e+00, v20;
	v22 =	vld.idx.msk [tilespmem:v22+s9+$0x0], $0xffff;
	(erf) = vrcp.f32 v56;
	v30 =	vmul.f32 v26, v26  }
0x176: {  	s30 =	simm.s32 $0x40;
	s14 =	sadd.s32 $0x1, s14;
	v31 =	vadd.f32 v31, v31;
	v36 =	vmul.f32 $6.931471820e-01, v27;
	v58 =	vadd.f32 $3.333333430e-01, v23  }
0x177: {  	s31 =	sshll.u32 s14, $0xB;
	vm1 =	veq.f32 v28, $0.0e+00;
	v28 =	vor.u32 s30, v1;
	v59 =	vmul.f32 $1.111111120e-01, v30  }
0x178: {  	v27 =	vmul.f32 v57, v57;
	s15 =	sand.u32 $0xFFFFC000, s31;
	v60 =	vshll.u32 v28, $0x7;
	v32 =	vmul.f32 v58, v32  }
0x179: {  	v35 =	vadd.f32 $-1.000000000e+00, v35;
	v33 =	vor.u32 s15, v60;
	v34 =	vadd.f32 $1.428571490e-01, v59  }
0x17a: {  	v28 =	vor.u32 v28, v33;
	v38 =	vand.u32 $0x7FFFFF, v22;
	v32 =	vadd.f32 $1.000000000e+00, v32  }
0x17b: {  	v23 =	vsub.f32 $1.000000000e+00, v21;
	v61 =	vor.u32 $0x3F800000, v38;
	v34 =	vmul.f32 v34, v30  }
0x17c: {  	vm2 =	vgt.f32 v61, $1.414213540e+00;
	v38 =	vmul.f32 $5.000000000e-01, v61;
	v31 =	vmul.f32 v32, v31  }
0x17d: {  	v37 =	vshra.s32 v22, $0x17;
	v62 =	vsel vm2, $0xFFFFFF82, v18;
	v39 =	vadd.f32 $2.000000030e-01, v34  }
0x17e: {  	v37 =	vadd.s32 v37, v62;
	v63 =	vpop (erf);
	v34 =	vsel vm2, v38, v61;
	v36 =	vadd.f32 v31, v36  }
0x17f: {  	v33 =	vmul.f32 v63, v35;
	v38 =	vadd.f32 $1.000000000e+00, v34;
	v39 =	vmul.f32 v39, v30  }
0x180: {  	v32 =	vsub.f32 $1.000000000e+00, v22;
	v31 =	vcvt.s32.f32 v37;
	v36 =	vsel vm1, $0xFF800000, v36  }
0x181: {  	s15 =	simm.s32 $0x50;
	v28 =	vld.idx.msk [tilespmem:v28+s9+$0x0], $0xffff;
	v35 =	vmul.f32 v33, v33;
	(erf) = vrcp.f32 v38;
	v37 =	vadd.f32 $3.333333430e-01, v39  }
.LBB2_6:
0x182: {  	p0 =	seq.s32 s15, $0x70;
	v38 =	vmul.f32 $6.931471820e-01, v29;
	v39 =	vsub.f32 v36, v27;
	v27 =	vmul.f32 v25, v25;
	v25 =	vmovc v23;
	v23 =	vmovc v32;
	s16 =	smov.u32 s15;
	s15 =	sadd.s32 $0x10, s15  }
0x183: {  	s14 =	sadd.s32 $0x1, s14;
	vm1 =	veq.f32 v20, $0.0e+00;
	v20 =	vmovc v21;
	v21 =	vmovc v22;
	v32 =	vmul.f32 $1.111111120e-01, v35;
	v40 =	vmul.f32 v37, v30  }
0x184: {  	v29 =	vmovc v24;
	v36 =	vor.u32 s16, v1;
	s16 =	sshll.u32 s14, $0xB;
	v37 =	vadd.f32 v26, v26;
	v26 =	vmovc v33;
	v19 =	vadd.f32 v39, v19  }
0x185: {  	v24 =	vmovc v31;
	v30 =	vmovc v35;
	s16 =	sand.u32 $0xFFFFC000, s16;
	v41 =	vshll.u32 v36, $0x7;
	v32 =	vadd.f32 $1.428571490e-01, v32;
	v33 =	vadd.f32 $1.000000000e+00, v40  }
0x186: {  	v31 =	vor.u32 s16, v41;
	v35 =	vshra.s32 v28, $0x17;
	v39 =	vand.u32 $0x7FFFFF, v28;
	v22 =	vmovc v28  }
0x187: {  	v28 =	vor.u32 v36, v31;
	v31 =	vor.u32 $0x3F800000, v39;
	v32 =	vmul.f32 v32, v30  }
0x188: {  	vm2 =	vgt.f32 v31, $1.414213540e+00;
	v36 =	vmul.f32 $5.000000000e-01, v31;
	v33 =	vmul.f32 v33, v37  }
.Ltmp1:
0x189: {  	v39 =	vadd.f32 $-1.000000000e+00, v34;
	v37 =	vsel vm2, $0xFFFFFF82, v18;
	v32 =	vadd.f32 $2.000000030e-01, v32;
	(pc) =	sbr.rel @!p0 .LBB2_6-.Ltmp1, $4  }
0x18a: {  	v34 =	vsel vm2, v36, v31;
	v31 =	vadd.s32 v35, v37;
	v36 =	vadd.f32 v33, v38;
	v35 =	vpop (erf)  }
0x18b: {  	v37 =	vadd.f32 $1.000000000e+00, v34;
	v33 =	vmul.f32 v35, v39;
	v38 =	vmul.f32 v32, v30  }
0x18c: {  	v31 =	vcvt.s32.f32 v31;
	v32 =	vsub.f32 $1.000000000e+00, v22;
	v36 =	vsel vm1, $0xFF800000, v36;
	v28 =	vld.idx.msk [tilespmem:v28+s9+$0x0], $0xffff  }
0x18d: {  	(erf) = vrcp.f32 v37;
	v35 =	vmul.f32 v33, v33;
	v37 =	vadd.f32 $3.333333430e-01, v38  }
0x18e: {  	_ =	sdelay $0x2  }
0x18f: {  	v38 =	vand.u32 $0x7FFFFF, v28  }
0x190: {  	v38 =	vor.u32 $0x3F800000, v38  }
0x191: {  	v39 =	vmul.f32 $5.000000000e-01, v38  }
0x192: {  	vm1 =	vgt.f32 v38, $1.414213540e+00  }
0x193: {  	v38 =	vsel vm1, v39, v38  }
0x194: {  	v39 =	vadd.f32 $1.000000000e+00, v38;
	_ =	sdelay $0x1  }
0x195: {  	(erf) = vrcp.f32 v39;
	_ =	sdelay $0x5  }
0x196: {  	v34 =	vadd.f32 $-1.000000000e+00, v34  }
0x197: {  	v59 =	vpop (erf)  }
0x198: {  	v38 =	vadd.f32 $-1.000000000e+00, v38;
	v34 =	vmul.f32 v59, v34  }
0x199: {  	v40 =	vmul.f32 $1.111111120e-01, v35;
	v61 =	vpop (erf)  }
0x19a: {  	v41 =	vmul.f32 v34, v34;
	v38 =	vmul.f32 v61, v38;
	_ =	sdelay $0x1  }
0x19b: {  	v60 =	vadd.f32 $1.428571490e-01, v40;
	v62 =	vmul.f32 $1.111111120e-01, v41;
	v42 =	vmul.f32 v38, v38  }
0x19c: {  	v27 =	vsub.f32 v36, v27;
	v29 =	vmul.f32 $6.931471820e-01, v29  }
0x19d: {  	v39 =	vmul.f32 v60, v35;
	v43 =	vadd.f32 $1.428571490e-01, v62;
	v44 =	vmul.f32 $1.111111120e-01, v42  }
0x19e: {  	v26 =	vadd.f32 v26, v26;
	v25 =	vmul.f32 v25, v25;
	v30 =	vmul.f32 v37, v30  }
0x19f: {  	v63 =	vadd.f32 $2.000000030e-01, v39;
	v36 =	vmul.f32 v43, v41;
	v39 =	vadd.f32 $1.428571490e-01, v44  }
0x1a0: {  	v24 =	vmul.f32 $6.931471820e-01, v24;
	v23 =	vmul.f32 v23, v23;
	v30 =	vadd.f32 $1.000000000e+00, v30  }
0x1a1: {  	v37 =	vmul.f32 v63, v35;
	v36 =	vadd.f32 $2.000000030e-01, v36;
	v39 =	vmul.f32 v39, v42  }
0x1a2: {  	v33 =	vadd.f32 v33, v33;
	v56 =	vmul.f32 $6.931471820e-01, v31;
	v26 =	vmul.f32 v30, v26  }
0x1a3: {  	v37 =	vadd.f32 $3.333333430e-01, v37;
	v48 =	vmul.f32 v36, v41;
	v49 =	vadd.f32 $2.000000030e-01, v39  }
0x1a4: {  	v45 =	vshra.s32 v28, $0x17;
	v46 =	vsel vm1, $0xFFFFFF82, v18;
	v26 =	vadd.f32 v26, v29  }
0x1a5: {  	v47 =	vmul.f32 v37, v35;
	v29 =	vadd.f32 $3.333333430e-01, v48;
	v35 =	vmul.f32 v49, v42  }
0x1a6: {  	v19 =	vadd.f32 v27, v19;
	vm1 =	veq.f32 v20, $0.0e+00;
	v20 =	vadd.s32 v45, v46  }
0x1a7: {  	v30 =	vadd.f32 $1.000000000e+00, v47;
	v29 =	vmul.f32 v29, v41;
	v51 =	vadd.f32 $3.333333430e-01, v35  }
0x1a8: {  	v20 =	vcvt.s32.f32 v20;
	v26 =	vsel vm1, $0xFF800000, v26;
	v53 =	vadd.f32 v34, v34  }
0x1a9: {  	v50 =	vmul.f32 v30, v33;
	v54 =	vadd.f32 $1.000000000e+00, v29;
	v55 =	vmul.f32 v51, v42  }
0x1aa: {  	vm1 =	veq.f32 v21, $0.0e+00;
	v25 =	vsub.f32 v26, v25;
	v57 =	vadd.f32 v38, v38  }
0x1ab: {  	v52 =	vadd.f32 v50, v24;
	v24 =	vmul.f32 v54, v53;
	v29 =	vadd.f32 $1.000000000e+00, v55  }
0x1ac: {  	v20 =	vmul.f32 $6.931471820e-01, v20;
	v60 =	vsub.f32 $1.000000000e+00, v28;
	v19 =	vadd.f32 v25, v19  }
0x1ad: {  	v21 =	vsel vm1, $0xFF800000, v52;
	v58 =	vadd.f32 v24, v56;
	v59 =	vmul.f32 v29, v57  }
0x1ae: {  	v61 =	vmul.f32 v32, v32;
	vm1 =	veq.f32 v22, $0.0e+00;
	v21 =	vsub.f32 v21, v23  }
0x1af: {  	v63 =	vmul.f32 v60, v60;
	v62 =	vsel vm1, $0xFF800000, v58;
	v20 =	vadd.f32 v59, v20  }
0x1b0: {  	v19 =	vadd.f32 v21, v19;
	vm1 =	veq.f32 v28, $0.0e+00;
	v21 =	vsub.f32 v62, v61  }
0x1b1: {  	v20 =	vsel vm1, $0xFF800000, v20  }
0x1b2: {  	v19 =	vadd.f32 v21, v19;
	v20 =	vsub.f32 v20, v63;
	_ =	sdelay $0x1  }
0x1b3: {  	v19 =	vadd.f32 v20, v19  }
0x1b4: {  	s13 =	sadd.s32 $0x1, s13  }
0x1b5: {  	p0 =	seq.s32 s13, $0x4  }
.Ltmp2:
0x1b6: {  	_ = 	snop;
	(pc) =	sbr.rel @!p0 .LBB2_5-.Ltmp2, $1  }
0x1b7: {  	_ =	sdelay $0x3  }
0x1b8: {  	s11 =	sadd.s32 $0x1, s11  }
0x1b9: {  	p0 =	sne.s32 s11, s5  }
.Ltmp3:
0x1ba: {  	[tilespmem:$0x200] =	vst v19;
	(pc) =	sbr.rel @p0 .LBB2_1-.Ltmp3, $4  }
0x1bb: {  	[hbm4b:s4+s2] =	stream.linear.scatter [tilespmem:s10], [sflag:$0x2], $0x10, $0x38;
	[tilespmem:$0x10280] =	vst v63  }
0x1bc: {  	_ =	swait.ge [sflag:s7], $0x10  }
0x1bd: {  	[sflag:s7] =	ssyncset.done $0x0  }
0x1be: {  	[sflag:s7] =	ssyncadd.s32 $0xFFFFFFF0  }
0x1bf: {  	_ =	sfence.sel $0x180000  }
0x1c0: {  	[bflag:$0x0] =	sbarrier.arrive $0xFFFF  }
0x1c1: {  	p0 =	sne.s32 s1, $0x0;
	_ =	strace $0x90000047  }
0x1c2: {  	s0 =	sadd.s32 @!p0 $0x100000, s0;
	[bflag:$0x2] =	sbarrier.arrive $0xFFFF  }
0x1c3: {  	[sflag:s0] =	ssyncadd.tile.s32 @!p0 $0x1;
	_ =	shalt  }
.Lfunc_end2:
_tile_overlayer_lowered:
.L_overlay_start_2:
0x1c4: {  	(tag) =	ssettag $0x2  }
0x1c5: {  	s0 =	rddreg [dreg:$0x0];
	s2 =	stileid.u32  }
0x1c6: {  	s1 =	rddreg [dreg:$0x1];
	p0 =	sne.s32 s2, $0x0  }
0x1c7: {  	s3 =	rddreg [dreg:$0x2];
	[bflag:$0x3] =	sbarrier.arrive $0xFFFF;
	s2 =	simm.s32 @!p0 $0x1C02  }
0x1c8: {  	[timem:s3], [sflag:s2] =	dma.local @!p0 [hbm:s0], s1  }
0x1c9: {  	s0 =	simm.s32 @!p0 $0x2  }
0x1ca: {  	_ =	swait.ge @!p0 [sflag:s0], s1  }
0x1cb: {  	s1 =	ssub.s32 @!p0 $0x0, s1;
	[sflag:s0] =	ssyncset.done @!p0 $0x0  }
0x1cc: {  	[sflag:s0] =	ssyncadd.s32 @!p0 s1  }
0x1cd: {  	[bflag:$0x3] =	sbarrier.arrive $0xFFFF  }
0x1ce: {  	_ =	shalt  }

</sc_bundles>
